<compile_context>
chip_gen: v7x
topology: tpu7x:2x2x1
jax: 0.10.2.dev20260603
libtpu: 0.0.44.dev20260713+nightly
codegen_flags: <defaults>
</compile_context>

<pallas_src>
import functools

import jax
import jax.numpy as jnp
from jax import lax
from jax.experimental import pallas as pl
from jax.experimental.pallas import tpu as pltpu
from jax.experimental.pallas import tpu_sc as plsc

D = 128
NC = 2
NS = 16
NW = NC * NS
CH = 128
LANES = 16
NB = 4
PF = 3


def _mesh():
    return plsc.VectorSubcoreMesh(
        core_axis_name="c", subcore_axis_name="s", num_cores=NC, num_subcores=NS
    )


@functools.cache
def _deg_call(n_pad: int, kd: int):
    rows = n_pad // NS

    @functools.partial(
        pl.kernel,
        out_type=jax.ShapeDtypeStruct((NC, n_pad), jnp.float32),
        mesh=_mesh(),
        compiler_params=pltpu.CompilerParams(use_tc_tiling_on_sc=False),
        scratch_types=[
            pltpu.VMEM((kd, CH), jnp.int32),
            pltpu.VMEM((CH,), jnp.float32),
            pltpu.VMEM((rows,), jnp.float32),
            pltpu.VMEM_SHARED((n_pad,), jnp.float32),
            pltpu.SemaphoreType.DMA,
        ],
    )
    def deg(idx_hbm, out_hbm, idx_v, ones_v, z_v, acc, dsem):
        c = lax.axis_index("c")
        s = lax.axis_index("s")
        pltpu.sync_copy(idx_hbm.at[c, s], idx_v)
        for k in range(CH // LANES):
            ones_v[pl.ds(k * LANES, LANES)] = jnp.ones((LANES,), jnp.float32)

        def zbody(r, carry):
            z_v[pl.ds(r * LANES, LANES)] = jnp.zeros((LANES,), jnp.float32)
            return carry

        lax.fori_loop(0, rows // LANES, zbody, 0)
        pltpu.sync_copy(z_v, acc.at[pl.ds(s * rows, rows)])
        plsc.subcore_barrier()

        def body(j, carry):
            @pl.when(j >= 1)
            def _():
                pltpu.make_async_copy(ones_v, acc.at[idx_v.at[0]], dsem).wait()

            pltpu.async_copy(ones_v, acc.at[idx_v.at[j]], dsem, add=True)
            return carry

        lax.fori_loop(0, kd, body, 0)
        pltpu.make_async_copy(ones_v, acc.at[idx_v.at[0]], dsem).wait()
        plsc.subcore_barrier()
        pltpu.sync_copy(
            acc.at[pl.ds(s * rows, rows)],
            out_hbm.at[c, pl.ds(s * rows, rows)],
        )

    return deg


@functools.cache
def _agg_call(n_pad: int, kc: int):
    rows = n_pad // NS
    hd = D // NC
    assert rows % CH == 0 and kc % NB == 0 and PF < NB

    @functools.partial(
        pl.kernel,
        out_type=jax.ShapeDtypeStruct((NC, n_pad, hd), jnp.float32),
        mesh=_mesh(),
        compiler_params=pltpu.CompilerParams(use_tc_tiling_on_sc=False),
        scratch_types=[
            pltpu.VMEM((kc, CH), jnp.int32),
            pltpu.VMEM((kc, CH), jnp.int32),
            [pltpu.VMEM((CH, hd), jnp.float32) for _ in range(NB)],
            pltpu.VMEM_SHARED((n_pad, hd), jnp.float32),
            [pltpu.SemaphoreType.DMA for _ in range(NB)],
            [pltpu.SemaphoreType.DMA for _ in range(NB)],
        ],
    )
    def agg(h_hbm, src_hbm, dst_hbm, out_hbm, src_v, dst_v, bufs, acc, gsems, ssems):
        c = lax.axis_index("c")
        s = lax.axis_index("s")
        pltpu.sync_copy(src_hbm.at[c, s], src_v)
        pltpu.sync_copy(dst_hbm.at[s], dst_v)

        def zbody(r, carry):
            for k in range(hd // LANES):
                bufs[0][r, pl.ds(k * LANES, LANES)] = jnp.zeros((LANES,), jnp.float32)
            return carry

        lax.fori_loop(0, CH, zbody, 0)
        for blk in range(rows // CH):
            pltpu.sync_copy(bufs[0], acc.at[pl.ds(s * rows + blk * CH, CH)])
        plsc.subcore_barrier()

        for b in range(PF):
            pltpu.async_copy(h_hbm.at[src_v.at[b]], bufs[b], gsems[b])

        def body(i, carry):
            base = i * NB
            for b in range(NB):
                j = base + b
                pltpu.make_async_copy(h_hbm.at[src_v.at[j]], bufs[b], gsems[b]).wait()
                bprev = (b - 1) % NB
                if b == 0:
                    @pl.when(i > 0)
                    def _():
                        pltpu.make_async_copy(
                            bufs[bprev], acc.at[dst_v.at[0]], ssems[bprev]
                        ).wait()
                else:
                    pltpu.make_async_copy(
                        bufs[bprev], acc.at[dst_v.at[0]], ssems[bprev]
                    ).wait()
                pltpu.async_copy(bufs[b], acc.at[dst_v.at[j]], ssems[b], add=True)
                jp = j + PF
                bp = (b + PF) % NB

                @pl.when(jp < kc)
                def _():
                    pltpu.async_copy(h_hbm.at[src_v.at[jp]], bufs[bp], gsems[bp])

            return carry

        lax.fori_loop(0, kc // NB, body, 0)
        pltpu.make_async_copy(bufs[NB - 1], acc.at[dst_v.at[0]], ssems[NB - 1]).wait()
        plsc.subcore_barrier()
        pltpu.sync_copy(
            acc.at[pl.ds(s * rows, rows)],
            out_hbm.at[c, pl.ds(s * rows, rows)],
        )

    return agg


def _prep_tc(x_pad, deg_t):

    def body(x_ref, deg_ref, h_ref):
        norm = lax.rsqrt(jnp.maximum(deg_ref[:, 0:1], 1.0))
        h_ref[...] = x_ref[...] * norm

    return pl.pallas_call(
        body,
        out_shape=jax.ShapeDtypeStruct(x_pad.shape, jnp.float32),
    )(x_pad, deg_t)


def _finish_tc(partials, deg_t, w, b2):
    n_pad = partials.shape[1]

    def body(p_ref, deg_ref, w_ref, b_ref, o_ref):
        p = jnp.concatenate([p_ref[0], p_ref[1]], axis=1)
        norm = lax.rsqrt(jnp.maximum(deg_ref[:, 1:2], 1.0))
        agg = p * norm
        o_ref[...] = (
            jnp.dot(agg, w_ref[...], preferred_element_type=jnp.float32) + b_ref[...]
        )

    return pl.pallas_call(
        body,
        out_shape=jax.ShapeDtypeStruct((n_pad, D), jnp.float32),
    )(partials, deg_t, w, b2)


def kernel(x, edge_index, W, b):
    n, d = x.shape
    assert d == D
    e = edge_index.shape[1]

    n_pad = -(-n // (NS * CH)) * (NS * CH)
    if n_pad == n:
        n_pad += NS * CH
    e_per_t = -(-e // (NS * NB * CH)) * (NB * CH)
    e_pad = e_per_t * NS
    kc = e_per_t // CH

    src = edge_index[0]
    dst = edge_index[1]
    spare = n_pad - n
    fill = (jnp.arange(e_pad - e, dtype=jnp.int32) % spare) + n
    src_p = jnp.concatenate([src, fill])
    dst_p = jnp.concatenate([dst, fill])

    idx2 = jnp.stack([src_p, dst_p]).reshape(NC, NS, kc, CH)
    counts = _deg_call(n_pad, kc)(idx2)
    deg_t = counts.T

    x_pad = jnp.pad(x, ((0, n_pad - n), (0, 0)))
    h = _prep_tc(x_pad, deg_t)
    h2 = h.reshape(2 * n_pad, D // NC)

    srcg = jnp.stack([2 * src_p, 2 * src_p + 1]).reshape(NC, NS, kc, CH)
    partials = _agg_call(n_pad, kc)(h2, srcg, dst_p.reshape(NS, kc, CH))
    out = _finish_tc(partials, deg_t, W, b.reshape(1, D))
    return out[:n]

# --- scband reference (transcript-rebuilt; emitter-appended) ---
"""Pipeline reference for scband-graph-conv-layer-37941741093504 (READ-ONLY COPY).

The authoritative reference and input builder live on the scoring server;
editing this copy changes nothing except your own understanding.
"""

import jax, jax.numpy as jnp
import numpy as np

N = 10000
E = 320000
D_IN = 128
D_OUT = 128

def setup_inputs(seed: int = 0) -> dict:
    key = jax.random.key(seed)
    k1, k2, k3 = jax.random.split(key, 3)
    x = jax.random.normal(k1, (N, D_IN), dtype=jnp.float32)
    edge_index = jax.random.randint(k2, (2, E), 0, N, dtype=jnp.int32)
    # GraphConv linear weight (Glorot-style init) and bias
    W = jax.random.normal(k3, (D_IN, D_OUT), dtype=jnp.float32) * (1.0 / np.sqrt(D_IN))
    b = jnp.zeros((D_OUT,), dtype=jnp.float32)
    return {"x": x, "edge_index": edge_index, "W": W, "b": b}

def reference(x, edge_index, W, b):
    # DGL GraphConv with norm='both':
    #   h = D_in^{-1/2} A D_out^{-1/2} x, then h @ W + b
    # (in_feat == out_feat, so DGL aggregates first, then applies the weight)
    src = edge_index[0]
    dst = edge_index[1]
    deg_out = jnp.maximum(jnp.bincount(src, length=N).astype(x.dtype), 1.0)
    deg_in = jnp.maximum(jnp.bincount(dst, length=N).astype(x.dtype), 1.0)
    norm_src = deg_out ** (-0.5)
    norm_dst = deg_in ** (-0.5)
    h = x * norm_src[:, None]
    msg = jnp.take(h, src, axis=0)
    agg = jnp.zeros((N, h.shape[1]), dtype=h.dtype).at[dst].add(msg)
    agg = agg * norm_dst[:, None]
    out = agg @ W + b
    # dropout p=0.0 -> identity; activation=None -> identity
    return out

if __name__ == "__main__":
    import jax
    _d = setup_inputs()
    print(jax.jit(kernel)(*tuple(_d.values())))

</pallas_src>

<mosaic_0001>
#map = affine_map<(d0, d1) -> (0, 0, 0, 0)>
#map1 = affine_map<(d0, d1) -> (0, 0)>
module attributes {stable_mosaic.version = 14 : i64} {
  func.func @deg(%arg0: i32, %arg1: i32, %arg2: memref<2x16x160x128xi32, #tpu.memory_space<hbm>>, %arg3: memref<2x10240xf32, #tpu.memory_space<hbm>>, %arg4: memref<160x128xi32, #tpu.memory_space<vmem>>, %arg5: memref<128xf32, #tpu.memory_space<vmem>>, %arg6: memref<640xf32, #tpu.memory_space<vmem>>, %arg7: memref<10240xf32, #tpu.memory_space<vmem_shared>>, %arg8: memref<!tpu.dma_semaphore, #tpu.memory_space<semaphore_mem>>) attributes {dimension_semantics = [#tpu.dimension_semantics<core_parallel>, #tpu.dimension_semantics<subcore_parallel>], iteration_bounds = array<i64: 2, 16>, scalar_prefetch = 0 : i64, scratch_operands = 5 : i64, tpu.core_type = #tpu.core_type<sc_vector_subcore>, window_params = [{transform_indices = #map}, {transform_indices = #map1}]} {
    "tpu.region"() ({
      %run_scoped3A = tpu.sem_alloc : memref<!tpu.dma_semaphore, #tpu.memory_space<semaphore_mem>>
      %dma_start3A = arith.constant 0 : i32
      %dma_start3A_68 = arith.constant 0 : i32
      %dma_start3A_69 = tpu.memref_slice %arg2[%arg0, %arg1, %dma_start3A, %dma_start3A_68] : memref<2x16x160x128xi32, #tpu.memory_space<hbm>> -> memref<1x1x160x128xi32, #tpu.memory_space<hbm>>
      %dma_start3A_70 = tpu.memref_squeeze %dma_start3A_69 : memref<1x1x160x128xi32, #tpu.memory_space<hbm>> -> memref<160x128xi32, #tpu.memory_space<hbm>>
      %dma_start3A_71 = arith.constant 0 : i32
      %dma_start3A_72 = arith.constant 0 : i32
      %dma_start3A_73 = tpu.memref_slice %arg2[%arg0, %arg1, %dma_start3A_71, %dma_start3A_72] : memref<2x16x160x128xi32, #tpu.memory_space<hbm>> -> memref<1x1x160x128xi32, #tpu.memory_space<hbm>>
      %dma_start3A_74 = tpu.memref_squeeze %dma_start3A_73 : memref<1x1x160x128xi32, #tpu.memory_space<hbm>> -> memref<160x128xi32, #tpu.memory_space<hbm>>
      tpu.enqueue_dma source(%dma_start3A_74 : memref<160x128xi32, #tpu.memory_space<hbm>>) target(%arg4 : memref<160x128xi32, #tpu.memory_space<vmem>>) target_semaphore(%run_scoped3A : memref<!tpu.dma_semaphore, #tpu.memory_space<semaphore_mem>>)
      %dma_wait3A_75 = arith.constant 0 : i32
      %dma_wait3A_76 = arith.constant 0 : i32
      %dma_wait3A_77 = tpu.memref_slice %arg2[%arg0, %arg1, %dma_wait3A_75, %dma_wait3A_76] : memref<2x16x160x128xi32, #tpu.memory_space<hbm>> -> memref<1x1x160x128xi32, #tpu.memory_space<hbm>>
      %dma_wait3A_78 = tpu.memref_squeeze %dma_wait3A_77 : memref<1x1x160x128xi32, #tpu.memory_space<hbm>> -> memref<160x128xi32, #tpu.memory_space<hbm>>
      %dma_wait3A_79 = arith.constant 0 : i32
      %dma_wait3A_80 = arith.constant 0 : i32
      %dma_wait3A_81 = tpu.memref_slice %arg2[%arg0, %arg1, %dma_wait3A_79, %dma_wait3A_80] : memref<2x16x160x128xi32, #tpu.memory_space<hbm>> -> memref<1x1x160x128xi32, #tpu.memory_space<hbm>>
      %dma_wait3A_82 = tpu.memref_squeeze %dma_wait3A_81 : memref<1x1x160x128xi32, #tpu.memory_space<hbm>> -> memref<160x128xi32, #tpu.memory_space<hbm>>
      tpu.wait_dma2 semaphore(%run_scoped3A : memref<!tpu.dma_semaphore, #tpu.memory_space<semaphore_mem>>) src(%dma_wait3A_82 : memref<160x128xi32, #tpu.memory_space<hbm>>) dst(%arg4 : memref<160x128xi32, #tpu.memory_space<vmem>>)
      tpu.yield
    }) : () -> ()
    %broadcast_in_dim3A = arith.constant 1.000000e+00 : f32
    %broadcast_in_dim3A_0 = vector.broadcast %broadcast_in_dim3A : f32 to vector<16xf32>
    %swap3A = arith.constant 0 : index
    %swap3A_1 = tpu.vector_load %arg5[%swap3A] {strides = array<i32>} : memref<128xf32, #tpu.memory_space<vmem>>, vector<16xf32>,
    %swap3A_2 = vector.shape_cast %swap3A_1 : vector<16xf32> to vector<16xf32>
    %swap3A_3 = vector.shape_cast %broadcast_in_dim3A_0 : vector<16xf32> to vector<16xf32>
    tpu.vector_store %arg5[%swap3A], %swap3A_3 {strides = array<i32>} : memref<128xf32, #tpu.memory_space<vmem>>, vector<16xf32>,
    %broadcast_in_dim3A_4 = arith.constant 1.000000e+00 : f32
    %broadcast_in_dim3A_5 = vector.broadcast %broadcast_in_dim3A_4 : f32 to vector<16xf32>
    %swap3A_6 = arith.constant 16 : index
    %swap3A_7 = tpu.vector_load %arg5[%swap3A_6] {strides = array<i32>} : memref<128xf32, #tpu.memory_space<vmem>>, vector<16xf32>,
    %swap3A_8 = vector.shape_cast %swap3A_7 : vector<16xf32> to vector<16xf32>
    %swap3A_9 = vector.shape_cast %broadcast_in_dim3A_5 : vector<16xf32> to vector<16xf32>
    tpu.vector_store %arg5[%swap3A_6], %swap3A_9 {strides = array<i32>} : memref<128xf32, #tpu.memory_space<vmem>>, vector<16xf32>,
    %broadcast_in_dim3A_10 = arith.constant 1.000000e+00 : f32
    %broadcast_in_dim3A_11 = vector.broadcast %broadcast_in_dim3A_10 : f32 to vector<16xf32>
    %swap3A_12 = arith.constant 32 : index
    %swap3A_13 = tpu.vector_load %arg5[%swap3A_12] {strides = array<i32>} : memref<128xf32, #tpu.memory_space<vmem>>, vector<16xf32>,
    %swap3A_14 = vector.shape_cast %swap3A_13 : vector<16xf32> to vector<16xf32>
    %swap3A_15 = vector.shape_cast %broadcast_in_dim3A_11 : vector<16xf32> to vector<16xf32>
    tpu.vector_store %arg5[%swap3A_12], %swap3A_15 {strides = array<i32>} : memref<128xf32, #tpu.memory_space<vmem>>, vector<16xf32>,
    %broadcast_in_dim3A_16 = arith.constant 1.000000e+00 : f32
    %broadcast_in_dim3A_17 = vector.broadcast %broadcast_in_dim3A_16 : f32 to vector<16xf32>
    %swap3A_18 = arith.constant 48 : index
    %swap3A_19 = tpu.vector_load %arg5[%swap3A_18] {strides = array<i32>} : memref<128xf32, #tpu.memory_space<vmem>>, vector<16xf32>,
    %swap3A_20 = vector.shape_cast %swap3A_19 : vector<16xf32> to vector<16xf32>
    %swap3A_21 = vector.shape_cast %broadcast_in_dim3A_17 : vector<16xf32> to vector<16xf32>
    tpu.vector_store %arg5[%swap3A_18], %swap3A_21 {strides = array<i32>} : memref<128xf32, #tpu.memory_space<vmem>>, vector<16xf32>,
    %broadcast_in_dim3A_22 = arith.constant 1.000000e+00 : f32
    %broadcast_in_dim3A_23 = vector.broadcast %broadcast_in_dim3A_22 : f32 to vector<16xf32>
    %swap3A_24 = arith.constant 64 : index
    %swap3A_25 = tpu.vector_load %arg5[%swap3A_24] {strides = array<i32>} : memref<128xf32, #tpu.memory_space<vmem>>, vector<16xf32>,
    %swap3A_26 = vector.shape_cast %swap3A_25 : vector<16xf32> to vector<16xf32>
    %swap3A_27 = vector.shape_cast %broadcast_in_dim3A_23 : vector<16xf32> to vector<16xf32>
    tpu.vector_store %arg5[%swap3A_24], %swap3A_27 {strides = array<i32>} : memref<128xf32, #tpu.memory_space<vmem>>, vector<16xf32>,
    %broadcast_in_dim3A_28 = arith.constant 1.000000e+00 : f32
    %broadcast_in_dim3A_29 = vector.broadcast %broadcast_in_dim3A_28 : f32 to vector<16xf32>
    %swap3A_30 = arith.constant 80 : index
    %swap3A_31 = tpu.vector_load %arg5[%swap3A_30] {strides = array<i32>} : memref<128xf32, #tpu.memory_space<vmem>>, vector<16xf32>,
    %swap3A_32 = vector.shape_cast %swap3A_31 : vector<16xf32> to vector<16xf32>
    %swap3A_33 = vector.shape_cast %broadcast_in_dim3A_29 : vector<16xf32> to vector<16xf32>
    tpu.vector_store %arg5[%swap3A_30], %swap3A_33 {strides = array<i32>} : memref<128xf32, #tpu.memory_space<vmem>>, vector<16xf32>,
    %broadcast_in_dim3A_34 = arith.constant 1.000000e+00 : f32
    %broadcast_in_dim3A_35 = vector.broadcast %broadcast_in_dim3A_34 : f32 to vector<16xf32>
    %swap3A_36 = arith.constant 96 : index
    %swap3A_37 = tpu.vector_load %arg5[%swap3A_36] {strides = array<i32>} : memref<128xf32, #tpu.memory_space<vmem>>, vector<16xf32>,
    %swap3A_38 = vector.shape_cast %swap3A_37 : vector<16xf32> to vector<16xf32>
    %swap3A_39 = vector.shape_cast %broadcast_in_dim3A_35 : vector<16xf32> to vector<16xf32>
    tpu.vector_store %arg5[%swap3A_36], %swap3A_39 {strides = array<i32>} : memref<128xf32, #tpu.memory_space<vmem>>, vector<16xf32>,
    %broadcast_in_dim3A_40 = arith.constant 1.000000e+00 : f32
    %broadcast_in_dim3A_41 = vector.broadcast %broadcast_in_dim3A_40 : f32 to vector<16xf32>
    %swap3A_42 = arith.constant 112 : index
    %swap3A_43 = tpu.vector_load %arg5[%swap3A_42] {strides = array<i32>} : memref<128xf32, #tpu.memory_space<vmem>>, vector<16xf32>,
    %swap3A_44 = vector.shape_cast %swap3A_43 : vector<16xf32> to vector<16xf32>
    %swap3A_45 = vector.shape_cast %broadcast_in_dim3A_41 : vector<16xf32> to vector<16xf32>
    tpu.vector_store %arg5[%swap3A_42], %swap3A_45 {strides = array<i32>} : memref<128xf32, #tpu.memory_space<vmem>>, vector<16xf32>,
    %scan3A = arith.constant 0 : i32
    %scan3A_46 = arith.constant 0 : i32
    %scan3A_47 = arith.constant 40 : i32
    %scan3A_48 = arith.addi %scan3A_46, %scan3A_47 : i32
    %scan3A_49 = arith.constant 1 : i32
    scf.for %scan3A_68 = %scan3A_46 to %scan3A_48 step %scan3A_49  : i32 {
      %broadcast_in_dim3A_69 = arith.constant 0.000000e+00 : f32
      %broadcast_in_dim3A_70 = vector.broadcast %broadcast_in_dim3A_69 : f32 to vector<16xf32>
      %mul3A_71 = arith.constant 16 : i32
      %mul3A_72 = arith.muli %scan3A_68, %mul3A_71 : i32
      %swap3A_73 = arith.index_cast %mul3A_72 : i32 to index
      %swap3A_74 = tpu.vector_load %arg6[%swap3A_73] {strides = array<i32>} : memref<640xf32, #tpu.memory_space<vmem>>, vector<16xf32>,
      %swap3A_75 = vector.shape_cast %swap3A_74 : vector<16xf32> to vector<16xf32>
      %swap3A_76 = vector.shape_cast %broadcast_in_dim3A_70 : vector<16xf32> to vector<16xf32>
      tpu.vector_store %arg6[%swap3A_73], %swap3A_76 {strides = array<i32>} : memref<640xf32, #tpu.memory_space<vmem>>, vector<16xf32>,
    }
    %scan3A_50 = arith.constant 40 : i32
    %mul3A = arith.constant 640 : i32
    %mul3A_51 = arith.muli %arg1, %mul3A : i32
    "tpu.region"() ({
      %run_scoped3A = tpu.sem_alloc : memref<!tpu.dma_semaphore, #tpu.memory_space<semaphore_mem>>
      %dma_start3A = tpu.memref_slice %arg7[%mul3A_51] : memref<10240xf32, #tpu.memory_space<vmem_shared>> -> memref<640xf32, #tpu.memory_space<vmem_shared>>
      %dma_start3A_68 = tpu.memref_slice %arg7[%mul3A_51] : memref<10240xf32, #tpu.memory_space<vmem_shared>> -> memref<640xf32, #tpu.memory_space<vmem_shared>>
      tpu.enqueue_dma source(%arg6 : memref<640xf32, #tpu.memory_space<vmem>>) target(%dma_start3A_68 : memref<640xf32, #tpu.memory_space<vmem_shared>>) target_semaphore(%run_scoped3A : memref<!tpu.dma_semaphore, #tpu.memory_space<semaphore_mem>>)
      %dma_wait3A_69 = tpu.memref_slice %arg7[%mul3A_51] : memref<10240xf32, #tpu.memory_space<vmem_shared>> -> memref<640xf32, #tpu.memory_space<vmem_shared>>
      %dma_wait3A_70 = tpu.memref_slice %arg7[%mul3A_51] : memref<10240xf32, #tpu.memory_space<vmem_shared>> -> memref<640xf32, #tpu.memory_space<vmem_shared>>
      tpu.wait_dma2 semaphore(%run_scoped3A : memref<!tpu.dma_semaphore, #tpu.memory_space<semaphore_mem>>) src(%arg6 : memref<640xf32, #tpu.memory_space<vmem>>) dst(%dma_wait3A_70 : memref<640xf32, #tpu.memory_space<vmem_shared>>)
      tpu.yield
    }) : () -> ()
    %barrier3A = arith.constant 0 : index
    tpu.barrier barrier_id(%barrier3A)
    %scan3A_52 = arith.constant 0 : i32
    %scan3A_53 = arith.constant 0 : i32
    %scan3A_54 = arith.constant 160 : i32
    %scan3A_55 = arith.addi %scan3A_53, %scan3A_54 : i32
    %scan3A_56 = arith.constant 1 : i32
    scf.for %scan3A_68 = %scan3A_53 to %scan3A_55 step %scan3A_56  : i32 {
      %ge3A = arith.constant 1 : i32
      %ge3A_69 = arith.cmpi sge, %scan3A_68, %ge3A : i32
      %convert_element_type3A = arith.extui %ge3A_69 : i1 to i32
      %cond3A = arith.constant 0 : i32
      %cond3A_70 = arith.cmpi ne, %convert_element_type3A, %cond3A : i32
      scf.if %cond3A_70 {
        %dma_wait3A_75 = arith.constant 0 : i32
        %dma_wait3A_76 = arith.constant 0 : i32
        %dma_wait3A_77 = tpu.memref_slice %arg4[%dma_wait3A_75, %dma_wait3A_76] : memref<160x128xi32, #tpu.memory_space<vmem>> -> memref<1x128xi32, #tpu.memory_space<vmem>>
        %dma_wait3A_78 = tpu.memref_squeeze %dma_wait3A_77 : memref<1x128xi32, #tpu.memory_space<vmem>> -> memref<128xi32, #tpu.memory_space<vmem>>
        %dma_wait3A_79 = arith.constant 0 : i32
        %dma_wait3A_80 = tpu.memref_slice %arg7[%dma_wait3A_79] : memref<10240xf32, #tpu.memory_space<vmem_shared>> -> memref<10240xf32, #tpu.memory_space<vmem_shared>>
        tpu.wait_indirect_dma semaphore(%arg8 : memref<!tpu.dma_semaphore, #tpu.memory_space<semaphore_mem>>) src(%arg5 : memref<128xf32, #tpu.memory_space<vmem>>) dst(%dma_wait3A_80 : memref<10240xf32, #tpu.memory_space<vmem_shared>>)
      } else {
      }
      %dma_start3A = arith.constant 0 : i32
      %dma_start3A_71 = tpu.memref_slice %arg4[%scan3A_68, %dma_start3A] : memref<160x128xi32, #tpu.memory_space<vmem>> -> memref<1x128xi32, #tpu.memory_space<vmem>>
      %dma_start3A_72 = tpu.memref_squeeze %dma_start3A_71 : memref<1x128xi32, #tpu.memory_space<vmem>> -> memref<128xi32, #tpu.memory_space<vmem>>
      %dma_start3A_73 = arith.constant 0 : i32
      %dma_start3A_74 = tpu.memref_slice %arg7[%dma_start3A_73] : memref<10240xf32, #tpu.memory_space<vmem_shared>> -> memref<10240xf32, #tpu.memory_space<vmem_shared>>
      tpu.enqueue_indirect_dma source(%arg5 : memref<128xf32, #tpu.memory_space<vmem>>) target(%dma_start3A_74 : memref<10240xf32, #tpu.memory_space<vmem_shared>>) offsets(%dma_start3A_72 : memref<128xi32, #tpu.memory_space<vmem>>) semaphore(%arg8 : memref<!tpu.dma_semaphore, #tpu.memory_space<semaphore_mem>>) {add = true}
    }
    %scan3A_57 = arith.constant 160 : i32
    %dma_wait3A = arith.constant 0 : i32
    %dma_wait3A_58 = arith.constant 0 : i32
    %dma_wait3A_59 = tpu.memref_slice %arg4[%dma_wait3A, %dma_wait3A_58] : memref<160x128xi32, #tpu.memory_space<vmem>> -> memref<1x128xi32, #tpu.memory_space<vmem>>
    %dma_wait3A_60 = tpu.memref_squeeze %dma_wait3A_59 : memref<1x128xi32, #tpu.memory_space<vmem>> -> memref<128xi32, #tpu.memory_space<vmem>>
    %dma_wait3A_61 = arith.constant 0 : i32
    %dma_wait3A_62 = tpu.memref_slice %arg7[%dma_wait3A_61] : memref<10240xf32, #tpu.memory_space<vmem_shared>> -> memref<10240xf32, #tpu.memory_space<vmem_shared>>
    tpu.wait_indirect_dma semaphore(%arg8 : memref<!tpu.dma_semaphore, #tpu.memory_space<semaphore_mem>>) src(%arg5 : memref<128xf32, #tpu.memory_space<vmem>>) dst(%dma_wait3A_62 : memref<10240xf32, #tpu.memory_space<vmem_shared>>)
    %barrier3A_63 = arith.constant 0 : index
    tpu.barrier barrier_id(%barrier3A_63)
    %mul3A_64 = arith.constant 640 : i32
    %mul3A_65 = arith.muli %arg1, %mul3A_64 : i32
    %mul3A_66 = arith.constant 640 : i32
    %mul3A_67 = arith.muli %arg1, %mul3A_66 : i32
    "tpu.region"() ({
      %run_scoped3A = tpu.sem_alloc : memref<!tpu.dma_semaphore, #tpu.memory_space<semaphore_mem>>
      %dma_start3A = tpu.memref_slice %arg3[%arg0, %mul3A_67] : memref<2x10240xf32, #tpu.memory_space<hbm>> -> memref<1x640xf32, #tpu.memory_space<hbm>>
      %dma_start3A_68 = tpu.memref_squeeze %dma_start3A : memref<1x640xf32, #tpu.memory_space<hbm>> -> memref<640xf32, #tpu.memory_space<hbm>>
      %dma_start3A_69 = tpu.memref_slice %arg7[%mul3A_65] : memref<10240xf32, #tpu.memory_space<vmem_shared>> -> memref<640xf32, #tpu.memory_space<vmem_shared>>
      tpu.enqueue_dma source(%dma_start3A_69 : memref<640xf32, #tpu.memory_space<vmem_shared>>) target(%dma_start3A_68 : memref<640xf32, #tpu.memory_space<hbm>>) target_semaphore(%run_scoped3A : memref<!tpu.dma_semaphore, #tpu.memory_space<semaphore_mem>>)
      %dma_wait3A_70 = tpu.memref_slice %arg3[%arg0, %mul3A_67] : memref<2x10240xf32, #tpu.memory_space<hbm>> -> memref<1x640xf32, #tpu.memory_space<hbm>>
      %dma_wait3A_71 = tpu.memref_squeeze %dma_wait3A_70 : memref<1x640xf32, #tpu.memory_space<hbm>> -> memref<640xf32, #tpu.memory_space<hbm>>
      %dma_wait3A_72 = tpu.memref_slice %arg7[%mul3A_65] : memref<10240xf32, #tpu.memory_space<vmem_shared>> -> memref<640xf32, #tpu.memory_space<vmem_shared>>
      tpu.wait_dma2 semaphore(%run_scoped3A : memref<!tpu.dma_semaphore, #tpu.memory_space<semaphore_mem>>) src(%dma_wait3A_72 : memref<640xf32, #tpu.memory_space<vmem_shared>>) dst(%dma_wait3A_71 : memref<640xf32, #tpu.memory_space<hbm>>)
      tpu.yield
    }) : () -> ()
    return
  }
}

#map = affine_map<(d0, d1) -> (0, 0)>
#map1 = affine_map<(d0, d1) -> (0, 0, 0, 0)>
#map2 = affine_map<(d0, d1) -> (0, 0, 0)>
module attributes {stable_mosaic.version = 14 : i64} {
  func.func @agg(%arg0: i32, %arg1: i32, %arg2: memref<20480x64xf32, #tpu.memory_space<hbm>>, %arg3: memref<2x16x160x128xi32, #tpu.memory_space<hbm>>, %arg4: memref<16x160x128xi32, #tpu.memory_space<hbm>>, %arg5: memref<2x10240x64xf32, #tpu.memory_space<hbm>>, %arg6: memref<160x128xi32, #tpu.memory_space<vmem>>, %arg7: memref<160x128xi32, #tpu.memory_space<vmem>>, %arg8: memref<128x64xf32, #tpu.memory_space<vmem>>, %arg9: memref<128x64xf32, #tpu.memory_space<vmem>>, %arg10: memref<128x64xf32, #tpu.memory_space<vmem>>, %arg11: memref<128x64xf32, #tpu.memory_space<vmem>>, %arg12: memref<10240x64xf32, #tpu.memory_space<vmem_shared>>, %arg13: memref<!tpu.dma_semaphore, #tpu.memory_space<semaphore_mem>>, %arg14: memref<!tpu.dma_semaphore, #tpu.memory_space<semaphore_mem>>, %arg15: memref<!tpu.dma_semaphore, #tpu.memory_space<semaphore_mem>>, %arg16: memref<!tpu.dma_semaphore, #tpu.memory_space<semaphore_mem>>, %arg17: memref<!tpu.dma_semaphore, #tpu.memory_space<semaphore_mem>>, %arg18: memref<!tpu.dma_semaphore, #tpu.memory_space<semaphore_mem>>, %arg19: memref<!tpu.dma_semaphore, #tpu.memory_space<semaphore_mem>>, %arg20: memref<!tpu.dma_semaphore, #tpu.memory_space<semaphore_mem>>) attributes {dimension_semantics = [#tpu.dimension_semantics<core_parallel>, #tpu.dimension_semantics<subcore_parallel>], iteration_bounds = array<i64: 2, 16>, scalar_prefetch = 0 : i64, scratch_operands = 15 : i64, tpu.core_type = #tpu.core_type<sc_vector_subcore>, window_params = [{transform_indices = #map}, {transform_indices = #map1}, {transform_indices = #map2}, {transform_indices = #map2}]} {
    "tpu.region"() ({
      %run_scoped3A = tpu.sem_alloc : memref<!tpu.dma_semaphore, #tpu.memory_space<semaphore_mem>>
      %dma_start3A_60 = arith.constant 0 : i32
      %dma_start3A_61 = arith.constant 0 : i32
      %dma_start3A_62 = tpu.memref_slice %arg3[%arg0, %arg1, %dma_start3A_60, %dma_start3A_61] : memref<2x16x160x128xi32, #tpu.memory_space<hbm>> -> memref<1x1x160x128xi32, #tpu.memory_space<hbm>>
      %dma_start3A_63 = tpu.memref_squeeze %dma_start3A_62 : memref<1x1x160x128xi32, #tpu.memory_space<hbm>> -> memref<160x128xi32, #tpu.memory_space<hbm>>
      %dma_start3A_64 = arith.constant 0 : i32
      %dma_start3A_65 = arith.constant 0 : i32
      %dma_start3A_66 = tpu.memref_slice %arg3[%arg0, %arg1, %dma_start3A_64, %dma_start3A_65] : memref<2x16x160x128xi32, #tpu.memory_space<hbm>> -> memref<1x1x160x128xi32, #tpu.memory_space<hbm>>
      %dma_start3A_67 = tpu.memref_squeeze %dma_start3A_66 : memref<1x1x160x128xi32, #tpu.memory_space<hbm>> -> memref<160x128xi32, #tpu.memory_space<hbm>>
      tpu.enqueue_dma source(%dma_start3A_67 : memref<160x128xi32, #tpu.memory_space<hbm>>) target(%arg6 : memref<160x128xi32, #tpu.memory_space<vmem>>) target_semaphore(%run_scoped3A : memref<!tpu.dma_semaphore, #tpu.memory_space<semaphore_mem>>)
      %dma_wait3A_68 = arith.constant 0 : i32
      %dma_wait3A_69 = arith.constant 0 : i32
      %dma_wait3A_70 = tpu.memref_slice %arg3[%arg0, %arg1, %dma_wait3A_68, %dma_wait3A_69] : memref<2x16x160x128xi32, #tpu.memory_space<hbm>> -> memref<1x1x160x128xi32, #tpu.memory_space<hbm>>
      %dma_wait3A_71 = tpu.memref_squeeze %dma_wait3A_70 : memref<1x1x160x128xi32, #tpu.memory_space<hbm>> -> memref<160x128xi32, #tpu.memory_space<hbm>>
      %dma_wait3A_72 = arith.constant 0 : i32
      %dma_wait3A_73 = arith.constant 0 : i32
      %dma_wait3A_74 = tpu.memref_slice %arg3[%arg0, %arg1, %dma_wait3A_72, %dma_wait3A_73] : memref<2x16x160x128xi32, #tpu.memory_space<hbm>> -> memref<1x1x160x128xi32, #tpu.memory_space<hbm>>
      %dma_wait3A_75 = tpu.memref_squeeze %dma_wait3A_74 : memref<1x1x160x128xi32, #tpu.memory_space<hbm>> -> memref<160x128xi32, #tpu.memory_space<hbm>>
      tpu.wait_dma2 semaphore(%run_scoped3A : memref<!tpu.dma_semaphore, #tpu.memory_space<semaphore_mem>>) src(%dma_wait3A_75 : memref<160x128xi32, #tpu.memory_space<hbm>>) dst(%arg6 : memref<160x128xi32, #tpu.memory_space<vmem>>)
      tpu.yield
    }) : () -> ()
    "tpu.region"() ({
      %run_scoped3A = tpu.sem_alloc : memref<!tpu.dma_semaphore, #tpu.memory_space<semaphore_mem>>
      %dma_start3A_60 = arith.constant 0 : i32
      %dma_start3A_61 = arith.constant 0 : i32
      %dma_start3A_62 = tpu.memref_slice %arg4[%arg1, %dma_start3A_60, %dma_start3A_61] : memref<16x160x128xi32, #tpu.memory_space<hbm>> -> memref<1x160x128xi32, #tpu.memory_space<hbm>>
      %dma_start3A_63 = tpu.memref_squeeze %dma_start3A_62 : memref<1x160x128xi32, #tpu.memory_space<hbm>> -> memref<160x128xi32, #tpu.memory_space<hbm>>
      %dma_start3A_64 = arith.constant 0 : i32
      %dma_start3A_65 = arith.constant 0 : i32
      %dma_start3A_66 = tpu.memref_slice %arg4[%arg1, %dma_start3A_64, %dma_start3A_65] : memref<16x160x128xi32, #tpu.memory_space<hbm>> -> memref<1x160x128xi32, #tpu.memory_space<hbm>>
      %dma_start3A_67 = tpu.memref_squeeze %dma_start3A_66 : memref<1x160x128xi32, #tpu.memory_space<hbm>> -> memref<160x128xi32, #tpu.memory_space<hbm>>
      tpu.enqueue_dma source(%dma_start3A_67 : memref<160x128xi32, #tpu.memory_space<hbm>>) target(%arg7 : memref<160x128xi32, #tpu.memory_space<vmem>>) target_semaphore(%run_scoped3A : memref<!tpu.dma_semaphore, #tpu.memory_space<semaphore_mem>>)
      %dma_wait3A_68 = arith.constant 0 : i32
      %dma_wait3A_69 = arith.constant 0 : i32
      %dma_wait3A_70 = tpu.memref_slice %arg4[%arg1, %dma_wait3A_68, %dma_wait3A_69] : memref<16x160x128xi32, #tpu.memory_space<hbm>> -> memref<1x160x128xi32, #tpu.memory_space<hbm>>
      %dma_wait3A_71 = tpu.memref_squeeze %dma_wait3A_70 : memref<1x160x128xi32, #tpu.memory_space<hbm>> -> memref<160x128xi32, #tpu.memory_space<hbm>>
      %dma_wait3A_72 = arith.constant 0 : i32
      %dma_wait3A_73 = arith.constant 0 : i32
      %dma_wait3A_74 = tpu.memref_slice %arg4[%arg1, %dma_wait3A_72, %dma_wait3A_73] : memref<16x160x128xi32, #tpu.memory_space<hbm>> -> memref<1x160x128xi32, #tpu.memory_space<hbm>>
      %dma_wait3A_75 = tpu.memref_squeeze %dma_wait3A_74 : memref<1x160x128xi32, #tpu.memory_space<hbm>> -> memref<160x128xi32, #tpu.memory_space<hbm>>
      tpu.wait_dma2 semaphore(%run_scoped3A : memref<!tpu.dma_semaphore, #tpu.memory_space<semaphore_mem>>) src(%dma_wait3A_75 : memref<160x128xi32, #tpu.memory_space<hbm>>) dst(%arg7 : memref<160x128xi32, #tpu.memory_space<vmem>>)
      tpu.yield
    }) : () -> ()
    %scan3A = arith.constant 0 : i32
    %scan3A_0 = arith.constant 0 : i32
    %scan3A_1 = arith.constant 128 : i32
    %scan3A_2 = arith.addi %scan3A_0, %scan3A_1 : i32
    %scan3A_3 = arith.constant 1 : i32
    scf.for %scan3A_60 = %scan3A_0 to %scan3A_2 step %scan3A_3  : i32 {
      %broadcast_in_dim3A = arith.constant 0.000000e+00 : f32
      %broadcast_in_dim3A_61 = vector.broadcast %broadcast_in_dim3A : f32 to vector<16xf32>
      %swap3A = arith.index_cast %scan3A_60 : i32 to index
      %swap3A_62 = arith.constant 0 : index
      %swap3A_63 = tpu.vector_load %arg8[%swap3A, %swap3A_62] {strides = array<i32>} : memref<128x64xf32, #tpu.memory_space<vmem>>, vector<1x16xf32>,
      %swap3A_64 = vector.shape_cast %swap3A_63 : vector<1x16xf32> to vector<16xf32>
      %swap3A_65 = vector.shape_cast %broadcast_in_dim3A_61 : vector<16xf32> to vector<1x16xf32>
      tpu.vector_store %arg8[%swap3A, %swap3A_62], %swap3A_65 {strides = array<i32>} : memref<128x64xf32, #tpu.memory_space<vmem>>, vector<1x16xf32>,
      %broadcast_in_dim3A_66 = arith.constant 0.000000e+00 : f32
      %broadcast_in_dim3A_67 = vector.broadcast %broadcast_in_dim3A_66 : f32 to vector<16xf32>
      %swap3A_68 = arith.index_cast %scan3A_60 : i32 to index
      %swap3A_69 = arith.constant 16 : index
      %swap3A_70 = tpu.vector_load %arg8[%swap3A_68, %swap3A_69] {strides = array<i32>} : memref<128x64xf32, #tpu.memory_space<vmem>>, vector<1x16xf32>,
      %swap3A_71 = vector.shape_cast %swap3A_70 : vector<1x16xf32> to vector<16xf32>
      %swap3A_72 = vector.shape_cast %broadcast_in_dim3A_67 : vector<16xf32> to vector<1x16xf32>
      tpu.vector_store %arg8[%swap3A_68, %swap3A_69], %swap3A_72 {strides = array<i32>} : memref<128x64xf32, #tpu.memory_space<vmem>>, vector<1x16xf32>,
      %broadcast_in_dim3A_73 = arith.constant 0.000000e+00 : f32
      %broadcast_in_dim3A_74 = vector.broadcast %broadcast_in_dim3A_73 : f32 to vector<16xf32>
      %swap3A_75 = arith.index_cast %scan3A_60 : i32 to index
      %swap3A_76 = arith.constant 32 : index
      %swap3A_77 = tpu.vector_load %arg8[%swap3A_75, %swap3A_76] {strides = array<i32>} : memref<128x64xf32, #tpu.memory_space<vmem>>, vector<1x16xf32>,
      %swap3A_78 = vector.shape_cast %swap3A_77 : vector<1x16xf32> to vector<16xf32>
      %swap3A_79 = vector.shape_cast %broadcast_in_dim3A_74 : vector<16xf32> to vector<1x16xf32>
      tpu.vector_store %arg8[%swap3A_75, %swap3A_76], %swap3A_79 {strides = array<i32>} : memref<128x64xf32, #tpu.memory_space<vmem>>, vector<1x16xf32>,
      %broadcast_in_dim3A_80 = arith.constant 0.000000e+00 : f32
      %broadcast_in_dim3A_81 = vector.broadcast %broadcast_in_dim3A_80 : f32 to vector<16xf32>
      %swap3A_82 = arith.index_cast %scan3A_60 : i32 to index
      %swap3A_83 = arith.constant 48 : index
      %swap3A_84 = tpu.vector_load %arg8[%swap3A_82, %swap3A_83] {strides = array<i32>} : memref<128x64xf32, #tpu.memory_space<vmem>>, vector<1x16xf32>,
      %swap3A_85 = vector.shape_cast %swap3A_84 : vector<1x16xf32> to vector<16xf32>
      %swap3A_86 = vector.shape_cast %broadcast_in_dim3A_81 : vector<16xf32> to vector<1x16xf32>
      tpu.vector_store %arg8[%swap3A_82, %swap3A_83], %swap3A_86 {strides = array<i32>} : memref<128x64xf32, #tpu.memory_space<vmem>>, vector<1x16xf32>,
    }
    %scan3A_4 = arith.constant 128 : i32
    %mul3A = arith.constant 640 : i32
    %mul3A_5 = arith.muli %arg1, %mul3A : i32
    %add3A = arith.constant 0 : i32
    %add3A_6 = arith.addi %mul3A_5, %add3A : i32
    "tpu.region"() ({
      %run_scoped3A = tpu.sem_alloc : memref<!tpu.dma_semaphore, #tpu.memory_space<semaphore_mem>>
      %dma_start3A_60 = arith.constant 0 : i32
      %dma_start3A_61 = tpu.memref_slice %arg12[%add3A_6, %dma_start3A_60] : memref<10240x64xf32, #tpu.memory_space<vmem_shared>> -> memref<128x64xf32, #tpu.memory_space<vmem_shared>>
      %dma_start3A_62 = arith.constant 0 : i32
      %dma_start3A_63 = tpu.memref_slice %arg12[%add3A_6, %dma_start3A_62] : memref<10240x64xf32, #tpu.memory_space<vmem_shared>> -> memref<128x64xf32, #tpu.memory_space<vmem_shared>>
      tpu.enqueue_dma source(%arg8 : memref<128x64xf32, #tpu.memory_space<vmem>>) target(%dma_start3A_63 : memref<128x64xf32, #tpu.memory_space<vmem_shared>>) target_semaphore(%run_scoped3A : memref<!tpu.dma_semaphore, #tpu.memory_space<semaphore_mem>>)
      %dma_wait3A_64 = arith.constant 0 : i32
      %dma_wait3A_65 = tpu.memref_slice %arg12[%add3A_6, %dma_wait3A_64] : memref<10240x64xf32, #tpu.memory_space<vmem_shared>> -> memref<128x64xf32, #tpu.memory_space<vmem_shared>>
      %dma_wait3A_66 = arith.constant 0 : i32
      %dma_wait3A_67 = tpu.memref_slice %arg12[%add3A_6, %dma_wait3A_66] : memref<10240x64xf32, #tpu.memory_space<vmem_shared>> -> memref<128x64xf32, #tpu.memory_space<vmem_shared>>
      tpu.wait_dma2 semaphore(%run_scoped3A : memref<!tpu.dma_semaphore, #tpu.memory_space<semaphore_mem>>) src(%arg8 : memref<128x64xf32, #tpu.memory_space<vmem>>) dst(%dma_wait3A_67 : memref<128x64xf32, #tpu.memory_space<vmem_shared>>)
      tpu.yield
    }) : () -> ()
    %mul3A_7 = arith.constant 640 : i32
    %mul3A_8 = arith.muli %arg1, %mul3A_7 : i32
    %add3A_9 = arith.constant 128 : i32
    %add3A_10 = arith.addi %mul3A_8, %add3A_9 : i32
    "tpu.region"() ({
      %run_scoped3A = tpu.sem_alloc : memref<!tpu.dma_semaphore, #tpu.memory_space<semaphore_mem>>
      %dma_start3A_60 = arith.constant 0 : i32
      %dma_start3A_61 = tpu.memref_slice %arg12[%add3A_10, %dma_start3A_60] : memref<10240x64xf32, #tpu.memory_space<vmem_shared>> -> memref<128x64xf32, #tpu.memory_space<vmem_shared>>
      %dma_start3A_62 = arith.constant 0 : i32
      %dma_start3A_63 = tpu.memref_slice %arg12[%add3A_10, %dma_start3A_62] : memref<10240x64xf32, #tpu.memory_space<vmem_shared>> -> memref<128x64xf32, #tpu.memory_space<vmem_shared>>
      tpu.enqueue_dma source(%arg8 : memref<128x64xf32, #tpu.memory_space<vmem>>) target(%dma_start3A_63 : memref<128x64xf32, #tpu.memory_space<vmem_shared>>) target_semaphore(%run_scoped3A : memref<!tpu.dma_semaphore, #tpu.memory_space<semaphore_mem>>)
      %dma_wait3A_64 = arith.constant 0 : i32
      %dma_wait3A_65 = tpu.memref_slice %arg12[%add3A_10, %dma_wait3A_64] : memref<10240x64xf32, #tpu.memory_space<vmem_shared>> -> memref<128x64xf32, #tpu.memory_space<vmem_shared>>
      %dma_wait3A_66 = arith.constant 0 : i32
      %dma_wait3A_67 = tpu.memref_slice %arg12[%add3A_10, %dma_wait3A_66] : memref<10240x64xf32, #tpu.memory_space<vmem_shared>> -> memref<128x64xf32, #tpu.memory_space<vmem_shared>>
      tpu.wait_dma2 semaphore(%run_scoped3A : memref<!tpu.dma_semaphore, #tpu.memory_space<semaphore_mem>>) src(%arg8 : memref<128x64xf32, #tpu.memory_space<vmem>>) dst(%dma_wait3A_67 : memref<128x64xf32, #tpu.memory_space<vmem_shared>>)
      tpu.yield
    }) : () -> ()
    %mul3A_11 = arith.constant 640 : i32
    %mul3A_12 = arith.muli %arg1, %mul3A_11 : i32
    %add3A_13 = arith.constant 256 : i32
    %add3A_14 = arith.addi %mul3A_12, %add3A_13 : i32
    "tpu.region"() ({
      %run_scoped3A = tpu.sem_alloc : memref<!tpu.dma_semaphore, #tpu.memory_space<semaphore_mem>>
      %dma_start3A_60 = arith.constant 0 : i32
      %dma_start3A_61 = tpu.memref_slice %arg12[%add3A_14, %dma_start3A_60] : memref<10240x64xf32, #tpu.memory_space<vmem_shared>> -> memref<128x64xf32, #tpu.memory_space<vmem_shared>>
      %dma_start3A_62 = arith.constant 0 : i32
      %dma_start3A_63 = tpu.memref_slice %arg12[%add3A_14, %dma_start3A_62] : memref<10240x64xf32, #tpu.memory_space<vmem_shared>> -> memref<128x64xf32, #tpu.memory_space<vmem_shared>>
      tpu.enqueue_dma source(%arg8 : memref<128x64xf32, #tpu.memory_space<vmem>>) target(%dma_start3A_63 : memref<128x64xf32, #tpu.memory_space<vmem_shared>>) target_semaphore(%run_scoped3A : memref<!tpu.dma_semaphore, #tpu.memory_space<semaphore_mem>>)
      %dma_wait3A_64 = arith.constant 0 : i32
      %dma_wait3A_65 = tpu.memref_slice %arg12[%add3A_14, %dma_wait3A_64] : memref<10240x64xf32, #tpu.memory_space<vmem_shared>> -> memref<128x64xf32, #tpu.memory_space<vmem_shared>>
      %dma_wait3A_66 = arith.constant 0 : i32
      %dma_wait3A_67 = tpu.memref_slice %arg12[%add3A_14, %dma_wait3A_66] : memref<10240x64xf32, #tpu.memory_space<vmem_shared>> -> memref<128x64xf32, #tpu.memory_space<vmem_shared>>
      tpu.wait_dma2 semaphore(%run_scoped3A : memref<!tpu.dma_semaphore, #tpu.memory_space<semaphore_mem>>) src(%arg8 : memref<128x64xf32, #tpu.memory_space<vmem>>) dst(%dma_wait3A_67 : memref<128x64xf32, #tpu.memory_space<vmem_shared>>)
      tpu.yield
    }) : () -> ()
    %mul3A_15 = arith.constant 640 : i32
    %mul3A_16 = arith.muli %arg1, %mul3A_15 : i32
    %add3A_17 = arith.constant 384 : i32
    %add3A_18 = arith.addi %mul3A_16, %add3A_17 : i32
    "tpu.region"() ({
      %run_scoped3A = tpu.sem_alloc : memref<!tpu.dma_semaphore, #tpu.memory_space<semaphore_mem>>
      %dma_start3A_60 = arith.constant 0 : i32
      %dma_start3A_61 = tpu.memref_slice %arg12[%add3A_18, %dma_start3A_60] : memref<10240x64xf32, #tpu.memory_space<vmem_shared>> -> memref<128x64xf32, #tpu.memory_space<vmem_shared>>
      %dma_start3A_62 = arith.constant 0 : i32
      %dma_start3A_63 = tpu.memref_slice %arg12[%add3A_18, %dma_start3A_62] : memref<10240x64xf32, #tpu.memory_space<vmem_shared>> -> memref<128x64xf32, #tpu.memory_space<vmem_shared>>
      tpu.enqueue_dma source(%arg8 : memref<128x64xf32, #tpu.memory_space<vmem>>) target(%dma_start3A_63 : memref<128x64xf32, #tpu.memory_space<vmem_shared>>) target_semaphore(%run_scoped3A : memref<!tpu.dma_semaphore, #tpu.memory_space<semaphore_mem>>)
      %dma_wait3A_64 = arith.constant 0 : i32
      %dma_wait3A_65 = tpu.memref_slice %arg12[%add3A_18, %dma_wait3A_64] : memref<10240x64xf32, #tpu.memory_space<vmem_shared>> -> memref<128x64xf32, #tpu.memory_space<vmem_shared>>
      %dma_wait3A_66 = arith.constant 0 : i32
      %dma_wait3A_67 = tpu.memref_slice %arg12[%add3A_18, %dma_wait3A_66] : memref<10240x64xf32, #tpu.memory_space<vmem_shared>> -> memref<128x64xf32, #tpu.memory_space<vmem_shared>>
      tpu.wait_dma2 semaphore(%run_scoped3A : memref<!tpu.dma_semaphore, #tpu.memory_space<semaphore_mem>>) src(%arg8 : memref<128x64xf32, #tpu.memory_space<vmem>>) dst(%dma_wait3A_67 : memref<128x64xf32, #tpu.memory_space<vmem_shared>>)
      tpu.yield
    }) : () -> ()
    %mul3A_19 = arith.constant 640 : i32
    %mul3A_20 = arith.muli %arg1, %mul3A_19 : i32
    %add3A_21 = arith.constant 512 : i32
    %add3A_22 = arith.addi %mul3A_20, %add3A_21 : i32
    "tpu.region"() ({
      %run_scoped3A = tpu.sem_alloc : memref<!tpu.dma_semaphore, #tpu.memory_space<semaphore_mem>>
      %dma_start3A_60 = arith.constant 0 : i32
      %dma_start3A_61 = tpu.memref_slice %arg12[%add3A_22, %dma_start3A_60] : memref<10240x64xf32, #tpu.memory_space<vmem_shared>> -> memref<128x64xf32, #tpu.memory_space<vmem_shared>>
      %dma_start3A_62 = arith.constant 0 : i32
      %dma_start3A_63 = tpu.memref_slice %arg12[%add3A_22, %dma_start3A_62] : memref<10240x64xf32, #tpu.memory_space<vmem_shared>> -> memref<128x64xf32, #tpu.memory_space<vmem_shared>>
      tpu.enqueue_dma source(%arg8 : memref<128x64xf32, #tpu.memory_space<vmem>>) target(%dma_start3A_63 : memref<128x64xf32, #tpu.memory_space<vmem_shared>>) target_semaphore(%run_scoped3A : memref<!tpu.dma_semaphore, #tpu.memory_space<semaphore_mem>>)
      %dma_wait3A_64 = arith.constant 0 : i32
      %dma_wait3A_65 = tpu.memref_slice %arg12[%add3A_22, %dma_wait3A_64] : memref<10240x64xf32, #tpu.memory_space<vmem_shared>> -> memref<128x64xf32, #tpu.memory_space<vmem_shared>>
      %dma_wait3A_66 = arith.constant 0 : i32
      %dma_wait3A_67 = tpu.memref_slice %arg12[%add3A_22, %dma_wait3A_66] : memref<10240x64xf32, #tpu.memory_space<vmem_shared>> -> memref<128x64xf32, #tpu.memory_space<vmem_shared>>
      tpu.wait_dma2 semaphore(%run_scoped3A : memref<!tpu.dma_semaphore, #tpu.memory_space<semaphore_mem>>) src(%arg8 : memref<128x64xf32, #tpu.memory_space<vmem>>) dst(%dma_wait3A_67 : memref<128x64xf32, #tpu.memory_space<vmem_shared>>)
      tpu.yield
    }) : () -> ()
    %barrier3A = arith.constant 0 : index
    tpu.barrier barrier_id(%barrier3A)
    %dma_start3A = arith.constant 0 : i32
    %dma_start3A_23 = arith.constant 0 : i32
    %dma_start3A_24 = tpu.memref_slice %arg6[%dma_start3A, %dma_start3A_23] : memref<160x128xi32, #tpu.memory_space<vmem>> -> memref<1x128xi32, #tpu.memory_space<vmem>>
    %dma_start3A_25 = tpu.memref_squeeze %dma_start3A_24 : memref<1x128xi32, #tpu.memory_space<vmem>> -> memref<128xi32, #tpu.memory_space<vmem>>
    %dma_start3A_26 = arith.constant 0 : i32
    %dma_start3A_27 = arith.constant 0 : i32
    %dma_start3A_28 = tpu.memref_slice %arg2[%dma_start3A_26, %dma_start3A_27] : memref<20480x64xf32, #tpu.memory_space<hbm>> -> memref<20480x64xf32, #tpu.memory_space<hbm>>
    tpu.enqueue_indirect_dma source(%dma_start3A_28 : memref<20480x64xf32, #tpu.memory_space<hbm>>) target(%arg8 : memref<128x64xf32, #tpu.memory_space<vmem>>) offsets(%dma_start3A_25 : memref<128xi32, #tpu.memory_space<vmem>>) semaphore(%arg13 : memref<!tpu.dma_semaphore, #tpu.memory_space<semaphore_mem>>)
    %dma_start3A_29 = arith.constant 1 : i32
    %dma_start3A_30 = arith.constant 0 : i32
    %dma_start3A_31 = tpu.memref_slice %arg6[%dma_start3A_29, %dma_start3A_30] : memref<160x128xi32, #tpu.memory_space<vmem>> -> memref<1x128xi32, #tpu.memory_space<vmem>>
    %dma_start3A_32 = tpu.memref_squeeze %dma_start3A_31 : memref<1x128xi32, #tpu.memory_space<vmem>> -> memref<128xi32, #tpu.memory_space<vmem>>
    %dma_start3A_33 = arith.constant 0 : i32
    %dma_start3A_34 = arith.constant 0 : i32
    %dma_start3A_35 = tpu.memref_slice %arg2[%dma_start3A_33, %dma_start3A_34] : memref<20480x64xf32, #tpu.memory_space<hbm>> -> memref<20480x64xf32, #tpu.memory_space<hbm>>
    tpu.enqueue_indirect_dma source(%dma_start3A_35 : memref<20480x64xf32, #tpu.memory_space<hbm>>) target(%arg9 : memref<128x64xf32, #tpu.memory_space<vmem>>) offsets(%dma_start3A_32 : memref<128xi32, #tpu.memory_space<vmem>>) semaphore(%arg14 : memref<!tpu.dma_semaphore, #tpu.memory_space<semaphore_mem>>)
    %dma_start3A_36 = arith.constant 2 : i32
    %dma_start3A_37 = arith.constant 0 : i32
    %dma_start3A_38 = tpu.memref_slice %arg6[%dma_start3A_36, %dma_start3A_37] : memref<160x128xi32, #tpu.memory_space<vmem>> -> memref<1x128xi32, #tpu.memory_space<vmem>>
    %dma_start3A_39 = tpu.memref_squeeze %dma_start3A_38 : memref<1x128xi32, #tpu.memory_space<vmem>> -> memref<128xi32, #tpu.memory_space<vmem>>
    %dma_start3A_40 = arith.constant 0 : i32
    %dma_start3A_41 = arith.constant 0 : i32
    %dma_start3A_42 = tpu.memref_slice %arg2[%dma_start3A_40, %dma_start3A_41] : memref<20480x64xf32, #tpu.memory_space<hbm>> -> memref<20480x64xf32, #tpu.memory_space<hbm>>
    tpu.enqueue_indirect_dma source(%dma_start3A_42 : memref<20480x64xf32, #tpu.memory_space<hbm>>) target(%arg10 : memref<128x64xf32, #tpu.memory_space<vmem>>) offsets(%dma_start3A_39 : memref<128xi32, #tpu.memory_space<vmem>>) semaphore(%arg15 : memref<!tpu.dma_semaphore, #tpu.memory_space<semaphore_mem>>)
    %scan3A_43 = arith.constant 0 : i32
    %scan3A_44 = arith.constant 0 : i32
    %scan3A_45 = arith.constant 40 : i32
    %scan3A_46 = arith.addi %scan3A_44, %scan3A_45 : i32
    %scan3A_47 = arith.constant 1 : i32
    scf.for %scan3A_60 = %scan3A_44 to %scan3A_46 step %scan3A_47  : i32 {
      %mul3A_61 = arith.constant 4 : i32
      %mul3A_62 = arith.muli %scan3A_60, %mul3A_61 : i32
      %add3A_63 = arith.constant 0 : i32
      %add3A_64 = arith.addi %mul3A_62, %add3A_63 : i32
      %dma_wait3A_65 = arith.constant 0 : i32
      %dma_wait3A_66 = tpu.memref_slice %arg6[%add3A_64, %dma_wait3A_65] : memref<160x128xi32, #tpu.memory_space<vmem>> -> memref<1x128xi32, #tpu.memory_space<vmem>>
      %dma_wait3A_67 = tpu.memref_squeeze %dma_wait3A_66 : memref<1x128xi32, #tpu.memory_space<vmem>> -> memref<128xi32, #tpu.memory_space<vmem>>
      %dma_wait3A_68 = arith.constant 0 : i32
      %dma_wait3A_69 = arith.constant 0 : i32
      %dma_wait3A_70 = tpu.memref_slice %arg2[%dma_wait3A_68, %dma_wait3A_69] : memref<20480x64xf32, #tpu.memory_space<hbm>> -> memref<20480x64xf32, #tpu.memory_space<hbm>>
      tpu.wait_indirect_dma semaphore(%arg13 : memref<!tpu.dma_semaphore, #tpu.memory_space<semaphore_mem>>) src(%dma_wait3A_70 : memref<20480x64xf32, #tpu.memory_space<hbm>>) dst(%arg8 : memref<128x64xf32, #tpu.memory_space<vmem>>)
      %gt3A = arith.constant 0 : i32
      %gt3A_71 = arith.cmpi sgt, %scan3A_60, %gt3A : i32
      %convert_element_type3A = arith.extui %gt3A_71 : i1 to i32
      %cond3A = arith.constant 0 : i32
      %cond3A_72 = arith.cmpi ne, %convert_element_type3A, %cond3A : i32
      scf.if %cond3A_72 {
        %dma_wait3A_169 = arith.constant 0 : i32
        %dma_wait3A_170 = arith.constant 0 : i32
        %dma_wait3A_171 = tpu.memref_slice %arg7[%dma_wait3A_169, %dma_wait3A_170] : memref<160x128xi32, #tpu.memory_space<vmem>> -> memref<1x128xi32, #tpu.memory_space<vmem>>
        %dma_wait3A_172 = tpu.memref_squeeze %dma_wait3A_171 : memref<1x128xi32, #tpu.memory_space<vmem>> -> memref<128xi32, #tpu.memory_space<vmem>>
        %dma_wait3A_173 = arith.constant 0 : i32
        %dma_wait3A_174 = arith.constant 0 : i32
        %dma_wait3A_175 = tpu.memref_slice %arg12[%dma_wait3A_173, %dma_wait3A_174] : memref<10240x64xf32, #tpu.memory_space<vmem_shared>> -> memref<10240x64xf32, #tpu.memory_space<vmem_shared>>
        tpu.wait_indirect_dma semaphore(%arg20 : memref<!tpu.dma_semaphore, #tpu.memory_space<semaphore_mem>>) src(%arg11 : memref<128x64xf32, #tpu.memory_space<vmem>>) dst(%dma_wait3A_175 : memref<10240x64xf32, #tpu.memory_space<vmem_shared>>)
      } else {
      }
      %dma_start3A_73 = arith.constant 0 : i32
      %dma_start3A_74 = tpu.memref_slice %arg7[%add3A_64, %dma_start3A_73] : memref<160x128xi32, #tpu.memory_space<vmem>> -> memref<1x128xi32, #tpu.memory_space<vmem>>
      %dma_start3A_75 = tpu.memref_squeeze %dma_start3A_74 : memref<1x128xi32, #tpu.memory_space<vmem>> -> memref<128xi32, #tpu.memory_space<vmem>>
      %dma_start3A_76 = arith.constant 0 : i32
      %dma_start3A_77 = arith.constant 0 : i32
      %dma_start3A_78 = tpu.memref_slice %arg12[%dma_start3A_76, %dma_start3A_77] : memref<10240x64xf32, #tpu.memory_space<vmem_shared>> -> memref<10240x64xf32, #tpu.memory_space<vmem_shared>>
      tpu.enqueue_indirect_dma source(%arg8 : memref<128x64xf32, #tpu.memory_space<vmem>>) target(%dma_start3A_78 : memref<10240x64xf32, #tpu.memory_space<vmem_shared>>) offsets(%dma_start3A_75 : memref<128xi32, #tpu.memory_space<vmem>>) semaphore(%arg17 : memref<!tpu.dma_semaphore, #tpu.memory_space<semaphore_mem>>) {add = true}
      %add3A_79 = arith.constant 3 : i32
      %add3A_80 = arith.addi %add3A_64, %add3A_79 : i32
      %lt3A = arith.constant 160 : i32
      %lt3A_81 = arith.cmpi slt, %add3A_80, %lt3A : i32
      %convert_element_type3A_82 = arith.extui %lt3A_81 : i1 to i32
      %cond3A_83 = arith.constant 0 : i32
      %cond3A_84 = arith.cmpi ne, %convert_element_type3A_82, %cond3A_83 : i32
      scf.if %cond3A_84 {
        %dma_start3A_169 = arith.constant 0 : i32
        %dma_start3A_170 = tpu.memref_slice %arg6[%add3A_80, %dma_start3A_169] : memref<160x128xi32, #tpu.memory_space<vmem>> -> memref<1x128xi32, #tpu.memory_space<vmem>>
        %dma_start3A_171 = tpu.memref_squeeze %dma_start3A_170 : memref<1x128xi32, #tpu.memory_space<vmem>> -> memref<128xi32, #tpu.memory_space<vmem>>
        %dma_start3A_172 = arith.constant 0 : i32
        %dma_start3A_173 = arith.constant 0 : i32
        %dma_start3A_174 = tpu.memref_slice %arg2[%dma_start3A_172, %dma_start3A_173] : memref<20480x64xf32, #tpu.memory_space<hbm>> -> memref<20480x64xf32, #tpu.memory_space<hbm>>
        tpu.enqueue_indirect_dma source(%dma_start3A_174 : memref<20480x64xf32, #tpu.memory_space<hbm>>) target(%arg11 : memref<128x64xf32, #tpu.memory_space<vmem>>) offsets(%dma_start3A_171 : memref<128xi32, #tpu.memory_space<vmem>>) semaphore(%arg16 : memref<!tpu.dma_semaphore, #tpu.memory_space<semaphore_mem>>)
      } else {
      }
      %add3A_85 = arith.constant 1 : i32
      %add3A_86 = arith.addi %mul3A_62, %add3A_85 : i32
      %dma_wait3A_87 = arith.constant 0 : i32
      %dma_wait3A_88 = tpu.memref_slice %arg6[%add3A_86, %dma_wait3A_87] : memref<160x128xi32, #tpu.memory_space<vmem>> -> memref<1x128xi32, #tpu.memory_space<vmem>>
      %dma_wait3A_89 = tpu.memref_squeeze %dma_wait3A_88 : memref<1x128xi32, #tpu.memory_space<vmem>> -> memref<128xi32, #tpu.memory_space<vmem>>
      %dma_wait3A_90 = arith.constant 0 : i32
      %dma_wait3A_91 = arith.constant 0 : i32
      %dma_wait3A_92 = tpu.memref_slice %arg2[%dma_wait3A_90, %dma_wait3A_91] : memref<20480x64xf32, #tpu.memory_space<hbm>> -> memref<20480x64xf32, #tpu.memory_space<hbm>>
      tpu.wait_indirect_dma semaphore(%arg14 : memref<!tpu.dma_semaphore, #tpu.memory_space<semaphore_mem>>) src(%dma_wait3A_92 : memref<20480x64xf32, #tpu.memory_space<hbm>>) dst(%arg9 : memref<128x64xf32, #tpu.memory_space<vmem>>)
      %dma_wait3A_93 = arith.constant 0 : i32
      %dma_wait3A_94 = arith.constant 0 : i32
      %dma_wait3A_95 = tpu.memref_slice %arg7[%dma_wait3A_93, %dma_wait3A_94] : memref<160x128xi32, #tpu.memory_space<vmem>> -> memref<1x128xi32, #tpu.memory_space<vmem>>
      %dma_wait3A_96 = tpu.memref_squeeze %dma_wait3A_95 : memref<1x128xi32, #tpu.memory_space<vmem>> -> memref<128xi32, #tpu.memory_space<vmem>>
      %dma_wait3A_97 = arith.constant 0 : i32
      %dma_wait3A_98 = arith.constant 0 : i32
      %dma_wait3A_99 = tpu.memref_slice %arg12[%dma_wait3A_97, %dma_wait3A_98] : memref<10240x64xf32, #tpu.memory_space<vmem_shared>> -> memref<10240x64xf32, #tpu.memory_space<vmem_shared>>
      tpu.wait_indirect_dma semaphore(%arg17 : memref<!tpu.dma_semaphore, #tpu.memory_space<semaphore_mem>>) src(%arg8 : memref<128x64xf32, #tpu.memory_space<vmem>>) dst(%dma_wait3A_99 : memref<10240x64xf32, #tpu.memory_space<vmem_shared>>)
      %dma_start3A_100 = arith.constant 0 : i32
      %dma_start3A_101 = tpu.memref_slice %arg7[%add3A_86, %dma_start3A_100] : memref<160x128xi32, #tpu.memory_space<vmem>> -> memref<1x128xi32, #tpu.memory_space<vmem>>
      %dma_start3A_102 = tpu.memref_squeeze %dma_start3A_101 : memref<1x128xi32, #tpu.memory_space<vmem>> -> memref<128xi32, #tpu.memory_space<vmem>>
      %dma_start3A_103 = arith.constant 0 : i32
      %dma_start3A_104 = arith.constant 0 : i32
      %dma_start3A_105 = tpu.memref_slice %arg12[%dma_start3A_103, %dma_start3A_104] : memref<10240x64xf32, #tpu.memory_space<vmem_shared>> -> memref<10240x64xf32, #tpu.memory_space<vmem_shared>>
      tpu.enqueue_indirect_dma source(%arg9 : memref<128x64xf32, #tpu.memory_space<vmem>>) target(%dma_start3A_105 : memref<10240x64xf32, #tpu.memory_space<vmem_shared>>) offsets(%dma_start3A_102 : memref<128xi32, #tpu.memory_space<vmem>>) semaphore(%arg18 : memref<!tpu.dma_semaphore, #tpu.memory_space<semaphore_mem>>) {add = true}
      %add3A_106 = arith.constant 3 : i32
      %add3A_107 = arith.addi %add3A_86, %add3A_106 : i32
      %lt3A_108 = arith.constant 160 : i32
      %lt3A_109 = arith.cmpi slt, %add3A_107, %lt3A_108 : i32
      %convert_element_type3A_110 = arith.extui %lt3A_109 : i1 to i32
      %cond3A_111 = arith.constant 0 : i32
      %cond3A_112 = arith.cmpi ne, %convert_element_type3A_110, %cond3A_111 : i32
      scf.if %cond3A_112 {
        %dma_start3A_169 = arith.constant 0 : i32
        %dma_start3A_170 = tpu.memref_slice %arg6[%add3A_107, %dma_start3A_169] : memref<160x128xi32, #tpu.memory_space<vmem>> -> memref<1x128xi32, #tpu.memory_space<vmem>>
        %dma_start3A_171 = tpu.memref_squeeze %dma_start3A_170 : memref<1x128xi32, #tpu.memory_space<vmem>> -> memref<128xi32, #tpu.memory_space<vmem>>
        %dma_start3A_172 = arith.constant 0 : i32
        %dma_start3A_173 = arith.constant 0 : i32
        %dma_start3A_174 = tpu.memref_slice %arg2[%dma_start3A_172, %dma_start3A_173] : memref<20480x64xf32, #tpu.memory_space<hbm>> -> memref<20480x64xf32, #tpu.memory_space<hbm>>
        tpu.enqueue_indirect_dma source(%dma_start3A_174 : memref<20480x64xf32, #tpu.memory_space<hbm>>) target(%arg8 : memref<128x64xf32, #tpu.memory_space<vmem>>) offsets(%dma_start3A_171 : memref<128xi32, #tpu.memory_space<vmem>>) semaphore(%arg13 : memref<!tpu.dma_semaphore, #tpu.memory_space<semaphore_mem>>)
      } else {
      }
      %add3A_113 = arith.constant 2 : i32
      %add3A_114 = arith.addi %mul3A_62, %add3A_113 : i32
      %dma_wait3A_115 = arith.constant 0 : i32
      %dma_wait3A_116 = tpu.memref_slice %arg6[%add3A_114, %dma_wait3A_115] : memref<160x128xi32, #tpu.memory_space<vmem>> -> memref<1x128xi32, #tpu.memory_space<vmem>>
      %dma_wait3A_117 = tpu.memref_squeeze %dma_wait3A_116 : memref<1x128xi32, #tpu.memory_space<vmem>> -> memref<128xi32, #tpu.memory_space<vmem>>
      %dma_wait3A_118 = arith.constant 0 : i32
      %dma_wait3A_119 = arith.constant 0 : i32
      %dma_wait3A_120 = tpu.memref_slice %arg2[%dma_wait3A_118, %dma_wait3A_119] : memref<20480x64xf32, #tpu.memory_space<hbm>> -> memref<20480x64xf32, #tpu.memory_space<hbm>>
      tpu.wait_indirect_dma semaphore(%arg15 : memref<!tpu.dma_semaphore, #tpu.memory_space<semaphore_mem>>) src(%dma_wait3A_120 : memref<20480x64xf32, #tpu.memory_space<hbm>>) dst(%arg10 : memref<128x64xf32, #tpu.memory_space<vmem>>)
      %dma_wait3A_121 = arith.constant 0 : i32
      %dma_wait3A_122 = arith.constant 0 : i32
      %dma_wait3A_123 = tpu.memref_slice %arg7[%dma_wait3A_121, %dma_wait3A_122] : memref<160x128xi32, #tpu.memory_space<vmem>> -> memref<1x128xi32, #tpu.memory_space<vmem>>
      %dma_wait3A_124 = tpu.memref_squeeze %dma_wait3A_123 : memref<1x128xi32, #tpu.memory_space<vmem>> -> memref<128xi32, #tpu.memory_space<vmem>>
      %dma_wait3A_125 = arith.constant 0 : i32
      %dma_wait3A_126 = arith.constant 0 : i32
      %dma_wait3A_127 = tpu.memref_slice %arg12[%dma_wait3A_125, %dma_wait3A_126] : memref<10240x64xf32, #tpu.memory_space<vmem_shared>> -> memref<10240x64xf32, #tpu.memory_space<vmem_shared>>
      tpu.wait_indirect_dma semaphore(%arg18 : memref<!tpu.dma_semaphore, #tpu.memory_space<semaphore_mem>>) src(%arg9 : memref<128x64xf32, #tpu.memory_space<vmem>>) dst(%dma_wait3A_127 : memref<10240x64xf32, #tpu.memory_space<vmem_shared>>)
      %dma_start3A_128 = arith.constant 0 : i32
      %dma_start3A_129 = tpu.memref_slice %arg7[%add3A_114, %dma_start3A_128] : memref<160x128xi32, #tpu.memory_space<vmem>> -> memref<1x128xi32, #tpu.memory_space<vmem>>
      %dma_start3A_130 = tpu.memref_squeeze %dma_start3A_129 : memref<1x128xi32, #tpu.memory_space<vmem>> -> memref<128xi32, #tpu.memory_space<vmem>>
      %dma_start3A_131 = arith.constant 0 : i32
      %dma_start3A_132 = arith.constant 0 : i32
      %dma_start3A_133 = tpu.memref_slice %arg12[%dma_start3A_131, %dma_start3A_132] : memref<10240x64xf32, #tpu.memory_space<vmem_shared>> -> memref<10240x64xf32, #tpu.memory_space<vmem_shared>>
      tpu.enqueue_indirect_dma source(%arg10 : memref<128x64xf32, #tpu.memory_space<vmem>>) target(%dma_start3A_133 : memref<10240x64xf32, #tpu.memory_space<vmem_shared>>) offsets(%dma_start3A_130 : memref<128xi32, #tpu.memory_space<vmem>>) semaphore(%arg19 : memref<!tpu.dma_semaphore, #tpu.memory_space<semaphore_mem>>) {add = true}
      %add3A_134 = arith.constant 3 : i32
      %add3A_135 = arith.addi %add3A_114, %add3A_134 : i32
      %lt3A_136 = arith.constant 160 : i32
      %lt3A_137 = arith.cmpi slt, %add3A_135, %lt3A_136 : i32
      %convert_element_type3A_138 = arith.extui %lt3A_137 : i1 to i32
      %cond3A_139 = arith.constant 0 : i32
      %cond3A_140 = arith.cmpi ne, %convert_element_type3A_138, %cond3A_139 : i32
      scf.if %cond3A_140 {
        %dma_start3A_169 = arith.constant 0 : i32
        %dma_start3A_170 = tpu.memref_slice %arg6[%add3A_135, %dma_start3A_169] : memref<160x128xi32, #tpu.memory_space<vmem>> -> memref<1x128xi32, #tpu.memory_space<vmem>>
        %dma_start3A_171 = tpu.memref_squeeze %dma_start3A_170 : memref<1x128xi32, #tpu.memory_space<vmem>> -> memref<128xi32, #tpu.memory_space<vmem>>
        %dma_start3A_172 = arith.constant 0 : i32
        %dma_start3A_173 = arith.constant 0 : i32
        %dma_start3A_174 = tpu.memref_slice %arg2[%dma_start3A_172, %dma_start3A_173] : memref<20480x64xf32, #tpu.memory_space<hbm>> -> memref<20480x64xf32, #tpu.memory_space<hbm>>
        tpu.enqueue_indirect_dma source(%dma_start3A_174 : memref<20480x64xf32, #tpu.memory_space<hbm>>) target(%arg9 : memref<128x64xf32, #tpu.memory_space<vmem>>) offsets(%dma_start3A_171 : memref<128xi32, #tpu.memory_space<vmem>>) semaphore(%arg14 : memref<!tpu.dma_semaphore, #tpu.memory_space<semaphore_mem>>)
      } else {
      }
      %add3A_141 = arith.constant 3 : i32
      %add3A_142 = arith.addi %mul3A_62, %add3A_141 : i32
      %dma_wait3A_143 = arith.constant 0 : i32
      %dma_wait3A_144 = tpu.memref_slice %arg6[%add3A_142, %dma_wait3A_143] : memref<160x128xi32, #tpu.memory_space<vmem>> -> memref<1x128xi32, #tpu.memory_space<vmem>>
      %dma_wait3A_145 = tpu.memref_squeeze %dma_wait3A_144 : memref<1x128xi32, #tpu.memory_space<vmem>> -> memref<128xi32, #tpu.memory_space<vmem>>
      %dma_wait3A_146 = arith.constant 0 : i32
      %dma_wait3A_147 = arith.constant 0 : i32
      %dma_wait3A_148 = tpu.memref_slice %arg2[%dma_wait3A_146, %dma_wait3A_147] : memref<20480x64xf32, #tpu.memory_space<hbm>> -> memref<20480x64xf32, #tpu.memory_space<hbm>>
      tpu.wait_indirect_dma semaphore(%arg16 : memref<!tpu.dma_semaphore, #tpu.memory_space<semaphore_mem>>) src(%dma_wait3A_148 : memref<20480x64xf32, #tpu.memory_space<hbm>>) dst(%arg11 : memref<128x64xf32, #tpu.memory_space<vmem>>)
      %dma_wait3A_149 = arith.constant 0 : i32
      %dma_wait3A_150 = arith.constant 0 : i32
      %dma_wait3A_151 = tpu.memref_slice %arg7[%dma_wait3A_149, %dma_wait3A_150] : memref<160x128xi32, #tpu.memory_space<vmem>> -> memref<1x128xi32, #tpu.memory_space<vmem>>
      %dma_wait3A_152 = tpu.memref_squeeze %dma_wait3A_151 : memref<1x128xi32, #tpu.memory_space<vmem>> -> memref<128xi32, #tpu.memory_space<vmem>>
      %dma_wait3A_153 = arith.constant 0 : i32
      %dma_wait3A_154 = arith.constant 0 : i32
      %dma_wait3A_155 = tpu.memref_slice %arg12[%dma_wait3A_153, %dma_wait3A_154] : memref<10240x64xf32, #tpu.memory_space<vmem_shared>> -> memref<10240x64xf32, #tpu.memory_space<vmem_shared>>
      tpu.wait_indirect_dma semaphore(%arg19 : memref<!tpu.dma_semaphore, #tpu.memory_space<semaphore_mem>>) src(%arg10 : memref<128x64xf32, #tpu.memory_space<vmem>>) dst(%dma_wait3A_155 : memref<10240x64xf32, #tpu.memory_space<vmem_shared>>)
      %dma_start3A_156 = arith.constant 0 : i32
      %dma_start3A_157 = tpu.memref_slice %arg7[%add3A_142, %dma_start3A_156] : memref<160x128xi32, #tpu.memory_space<vmem>> -> memref<1x128xi32, #tpu.memory_space<vmem>>
      %dma_start3A_158 = tpu.memref_squeeze %dma_start3A_157 : memref<1x128xi32, #tpu.memory_space<vmem>> -> memref<128xi32, #tpu.memory_space<vmem>>
      %dma_start3A_159 = arith.constant 0 : i32
      %dma_start3A_160 = arith.constant 0 : i32
      %dma_start3A_161 = tpu.memref_slice %arg12[%dma_start3A_159, %dma_start3A_160] : memref<10240x64xf32, #tpu.memory_space<vmem_shared>> -> memref<10240x64xf32, #tpu.memory_space<vmem_shared>>
      tpu.enqueue_indirect_dma source(%arg11 : memref<128x64xf32, #tpu.memory_space<vmem>>) target(%dma_start3A_161 : memref<10240x64xf32, #tpu.memory_space<vmem_shared>>) offsets(%dma_start3A_158 : memref<128xi32, #tpu.memory_space<vmem>>) semaphore(%arg20 : memref<!tpu.dma_semaphore, #tpu.memory_space<semaphore_mem>>) {add = true}
      %add3A_162 = arith.constant 3 : i32
      %add3A_163 = arith.addi %add3A_142, %add3A_162 : i32
      %lt3A_164 = arith.constant 160 : i32
      %lt3A_165 = arith.cmpi slt, %add3A_163, %lt3A_164 : i32
      %convert_element_type3A_166 = arith.extui %lt3A_165 : i1 to i32
      %cond3A_167 = arith.constant 0 : i32
      %cond3A_168 = arith.cmpi ne, %convert_element_type3A_166, %cond3A_167 : i32
      scf.if %cond3A_168 {
        %dma_start3A_169 = arith.constant 0 : i32
        %dma_start3A_170 = tpu.memref_slice %arg6[%add3A_163, %dma_start3A_169] : memref<160x128xi32, #tpu.memory_space<vmem>> -> memref<1x128xi32, #tpu.memory_space<vmem>>
        %dma_start3A_171 = tpu.memref_squeeze %dma_start3A_170 : memref<1x128xi32, #tpu.memory_space<vmem>> -> memref<128xi32, #tpu.memory_space<vmem>>
        %dma_start3A_172 = arith.constant 0 : i32
        %dma_start3A_173 = arith.constant 0 : i32
        %dma_start3A_174 = tpu.memref_slice %arg2[%dma_start3A_172, %dma_start3A_173] : memref<20480x64xf32, #tpu.memory_space<hbm>> -> memref<20480x64xf32, #tpu.memory_space<hbm>>
        tpu.enqueue_indirect_dma source(%dma_start3A_174 : memref<20480x64xf32, #tpu.memory_space<hbm>>) target(%arg10 : memref<128x64xf32, #tpu.memory_space<vmem>>) offsets(%dma_start3A_171 : memref<128xi32, #tpu.memory_space<vmem>>) semaphore(%arg15 : memref<!tpu.dma_semaphore, #tpu.memory_space<semaphore_mem>>)
      } else {
      }
    }
    %scan3A_48 = arith.constant 40 : i32
    %dma_wait3A = arith.constant 0 : i32
    %dma_wait3A_49 = arith.constant 0 : i32
    %dma_wait3A_50 = tpu.memref_slice %arg7[%dma_wait3A, %dma_wait3A_49] : memref<160x128xi32, #tpu.memory_space<vmem>> -> memref<1x128xi32, #tpu.memory_space<vmem>>
    %dma_wait3A_51 = tpu.memref_squeeze %dma_wait3A_50 : memref<1x128xi32, #tpu.memory_space<vmem>> -> memref<128xi32, #tpu.memory_space<vmem>>
    %dma_wait3A_52 = arith.constant 0 : i32
    %dma_wait3A_53 = arith.constant 0 : i32
    %dma_wait3A_54 = tpu.memref_slice %arg12[%dma_wait3A_52, %dma_wait3A_53] : memref<10240x64xf32, #tpu.memory_space<vmem_shared>> -> memref<10240x64xf32, #tpu.memory_space<vmem_shared>>
    tpu.wait_indirect_dma semaphore(%arg20 : memref<!tpu.dma_semaphore, #tpu.memory_space<semaphore_mem>>) src(%arg11 : memref<128x64xf32, #tpu.memory_space<vmem>>) dst(%dma_wait3A_54 : memref<10240x64xf32, #tpu.memory_space<vmem_shared>>)
    %barrier3A_55 = arith.constant 0 : index
    tpu.barrier barrier_id(%barrier3A_55)
    %mul3A_56 = arith.constant 640 : i32
    %mul3A_57 = arith.muli %arg1, %mul3A_56 : i32
    %mul3A_58 = arith.constant 640 : i32
    %mul3A_59 = arith.muli %arg1, %mul3A_58 : i32
    "tpu.region"() ({
      %run_scoped3A = tpu.sem_alloc : memref<!tpu.dma_semaphore, #tpu.memory_space<semaphore_mem>>
      %dma_start3A_60 = arith.constant 0 : i32
      %dma_start3A_61 = tpu.memref_slice %arg5[%arg0, %mul3A_59, %dma_start3A_60] : memref<2x10240x64xf32, #tpu.memory_space<hbm>> -> memref<1x640x64xf32, #tpu.memory_space<hbm>>
      %dma_start3A_62 = tpu.memref_squeeze %dma_start3A_61 : memref<1x640x64xf32, #tpu.memory_space<hbm>> -> memref<640x64xf32, #tpu.memory_space<hbm>>
      %dma_start3A_63 = arith.constant 0 : i32
      %dma_start3A_64 = tpu.memref_slice %arg12[%mul3A_57, %dma_start3A_63] : memref<10240x64xf32, #tpu.memory_space<vmem_shared>> -> memref<640x64xf32, #tpu.memory_space<vmem_shared>>
      tpu.enqueue_dma source(%dma_start3A_64 : memref<640x64xf32, #tpu.memory_space<vmem_shared>>) target(%dma_start3A_62 : memref<640x64xf32, #tpu.memory_space<hbm>>) target_semaphore(%run_scoped3A : memref<!tpu.dma_semaphore, #tpu.memory_space<semaphore_mem>>)
      %dma_wait3A_65 = arith.constant 0 : i32
      %dma_wait3A_66 = tpu.memref_slice %arg5[%arg0, %mul3A_59, %dma_wait3A_65] : memref<2x10240x64xf32, #tpu.memory_space<hbm>> -> memref<1x640x64xf32, #tpu.memory_space<hbm>>
      %dma_wait3A_67 = tpu.memref_squeeze %dma_wait3A_66 : memref<1x640x64xf32, #tpu.memory_space<hbm>> -> memref<640x64xf32, #tpu.memory_space<hbm>>
      %dma_wait3A_68 = arith.constant 0 : i32
      %dma_wait3A_69 = tpu.memref_slice %arg12[%mul3A_57, %dma_wait3A_68] : memref<10240x64xf32, #tpu.memory_space<vmem_shared>> -> memref<640x64xf32, #tpu.memory_space<vmem_shared>>
      tpu.wait_dma2 semaphore(%run_scoped3A : memref<!tpu.dma_semaphore, #tpu.memory_space<semaphore_mem>>) src(%dma_wait3A_69 : memref<640x64xf32, #tpu.memory_space<vmem_shared>>) dst(%dma_wait3A_67 : memref<640x64xf32, #tpu.memory_space<hbm>>)
      tpu.yield
    }) : () -> ()
    return
  }
}

module attributes {stable_mosaic.version = 14 : i64} {
  func.func @body(%arg0: memref<10240x128xf32, #tpu.memory_space<vmem>>, %arg1: memref<10240x2xf32, #tpu.memory_space<vmem>>, %arg2: memref<10240x128xf32, #tpu.memory_space<vmem>>) attributes {dimension_semantics = [], scalar_prefetch = 0 : i64, scratch_operands = 0 : i64, tpu.core_type = #tpu.core_type<tc>} {
    %get3A = arith.constant 0 : index
    %get3A_0 = arith.constant 0 : index
    %get3A_1 = vector.load %arg1[%get3A, %get3A_0] : memref<10240x2xf32, #tpu.memory_space<vmem>>, vector<10240x1xf32>
    %max3A = arith.constant 1.000000e+00 : f32
    %max3A_2 = vector.broadcast %max3A : f32 to vector<10240x1xf32>
    %max3A_3 = arith.maximumf %get3A_1, %max3A_2 : vector<10240x1xf32>
    %rsqrt3A = math.rsqrt %max3A_3 : vector<10240x1xf32>
    %get3A_4 = arith.constant 0 : index
    %get3A_5 = arith.constant 0 : index
    %get3A_6 = vector.load %arg0[%get3A_4, %get3A_5] : memref<10240x128xf32, #tpu.memory_space<vmem>>, vector<10240x128xf32>
    %mul3A = vector.broadcast %rsqrt3A : vector<10240x1xf32> to vector<10240x128xf32>
    %mul3A_7 = arith.mulf %get3A_6, %mul3A : vector<10240x128xf32>
    %swap3A = arith.constant 0 : index
    %swap3A_8 = arith.constant 0 : index
    %swap3A_9 = vector.load %arg2[%swap3A, %swap3A_8] : memref<10240x128xf32, #tpu.memory_space<vmem>>, vector<10240x128xf32>
    tpu.vector_store %arg2[%swap3A, %swap3A_8], %mul3A_7 {strides = array<i32>} : memref<10240x128xf32, #tpu.memory_space<vmem>>, vector<10240x128xf32>,
    return
  }
}

module attributes {stable_mosaic.version = 14 : i64} {
  func.func @body(%arg0: memref<2x10240x64xf32, #tpu.memory_space<vmem>>, %arg1: memref<10240x2xf32, #tpu.memory_space<vmem>>, %arg2: memref<128x128xf32, #tpu.memory_space<vmem>>, %arg3: memref<1x128xf32, #tpu.memory_space<vmem>>, %arg4: memref<10240x128xf32, #tpu.memory_space<vmem>>) attributes {dimension_semantics = [], scalar_prefetch = 0 : i64, scratch_operands = 0 : i64, tpu.core_type = #tpu.core_type<tc>} {
    %get3A = arith.constant 0 : index
    %get3A_0 = arith.constant 0 : index
    %get3A_1 = arith.constant 0 : index
    %get3A_2 = vector.load %arg0[%get3A, %get3A_0, %get3A_1] : memref<2x10240x64xf32, #tpu.memory_space<vmem>>, vector<1x10240x64xf32>
    %get3A_3 = vector.shape_cast %get3A_2 : vector<1x10240x64xf32> to vector<10240x64xf32>
    %get3A_4 = arith.constant 1 : index
    %get3A_5 = arith.constant 0 : index
    %get3A_6 = arith.constant 0 : index
    %get3A_7 = vector.load %arg0[%get3A_4, %get3A_5, %get3A_6] : memref<2x10240x64xf32, #tpu.memory_space<vmem>>, vector<1x10240x64xf32>
    %get3A_8 = vector.shape_cast %get3A_7 : vector<1x10240x64xf32> to vector<10240x64xf32>
    %concatenate3A = tpu.concatenate %get3A_3, %get3A_8 in 1 : vector<10240x64xf32>, vector<10240x64xf32> -> vector<10240x128xf32>
    %get3A_9 = arith.constant 0 : index
    %get3A_10 = arith.constant 1 : index
    %get3A_11 = vector.load %arg1[%get3A_9, %get3A_10] : memref<10240x2xf32, #tpu.memory_space<vmem>>, vector<10240x1xf32>
    %max3A = arith.constant 1.000000e+00 : f32
    %max3A_12 = vector.broadcast %max3A : f32 to vector<10240x1xf32>
    %max3A_13 = arith.maximumf %get3A_11, %max3A_12 : vector<10240x1xf32>
    %rsqrt3A = math.rsqrt %max3A_13 : vector<10240x1xf32>
    %mul3A = vector.broadcast %rsqrt3A : vector<10240x1xf32> to vector<10240x128xf32>
    %mul3A_14 = arith.mulf %concatenate3A, %mul3A : vector<10240x128xf32>
    %get3A_15 = arith.constant 0 : index
    %get3A_16 = arith.constant 0 : index
    %get3A_17 = vector.load %arg2[%get3A_15, %get3A_16] : memref<128x128xf32, #tpu.memory_space<vmem>>, vector<128x128xf32>
    %dot_general3A = arith.constant dense<0.000000e+00> : vector<10240x128xf32>
    %dot_general3A_18 = tpu.matmul %mul3A_14, %get3A_17, %dot_general3A {dimension_numbers = #tpu.dot_dimension_numbers<[1], [0], [0], [1], [0, 0, 1, 1], [], []>, transpose_lhs_hint = false} : vector<10240x128xf32>, vector<128x128xf32>, vector<10240x128xf32> -> vector<10240x128xf32>
    %get3A_19 = arith.constant 0 : index
    %get3A_20 = arith.constant 0 : index
    %get3A_21 = vector.load %arg3[%get3A_19, %get3A_20] : memref<1x128xf32, #tpu.memory_space<vmem>>, vector<1x128xf32>
    %add3A = vector.broadcast %get3A_21 : vector<1x128xf32> to vector<10240x128xf32>
    %add3A_22 = arith.addf %dot_general3A_18, %add3A : vector<10240x128xf32>
    %swap3A = arith.constant 0 : index
    %swap3A_23 = arith.constant 0 : index
    %swap3A_24 = vector.load %arg4[%swap3A, %swap3A_23] : memref<10240x128xf32, #tpu.memory_space<vmem>>, vector<10240x128xf32>
    tpu.vector_store %arg4[%swap3A, %swap3A_23], %add3A_22 {strides = array<i32>} : memref<10240x128xf32, #tpu.memory_space<vmem>>, vector<10240x128xf32>,
    return
  }
}

</mosaic_0001>

<sc_bundles>
// kernel: kernel.6.cloned.1.call-start
scs
__scs_entry_jumppad:
0x0: {  	(pc) =	sbr.rel $0x88, $3  }
0x1: {  	(tag) =	ssettag $0x0;
	lr =	simm.s32 $0x1  }
0x2: {  	[smem:$0x3F9D] =	sst lr;
	_ =	strace $0xD0000000  }
0x3: {  	_ = 	snop  }
0x4: {  	_ = 	snop  }
0x5: {  	_ = 	snop  }
0x6: {  	_ = 	snop  }
0x7: {  	_ = 	snop  }
__scs_overlays_trampoline_lowered:
0x8: {  	[smem:$0x3FAC] =	sst s0  }
0x9: {  	[smem:$0x3FAD] =	sst s1  }
0xa: {  	[smem:$0x3FAE] =	sst s2  }
0xb: {  	[smem:$0x3FAF] =	sst s3  }
0xc: {  	[smem:$0x3FB0] =	sst s4  }
0xd: {  	[smem:$0x3FB1] =	sst s5  }
0xe: {  	[smem:$0x3FB2] =	sst s6  }
0xf: {  	[smem:$0x3FB3] =	sst s7  }
0x10: {  	[smem:$0x3FB4] =	sst s8  }
0x11: {  	[smem:$0x3FB5] =	sst s9;
	s0 =	simm.s32 @!p0 $0x0  }
0x12: {  	s1 =	sld [smem:$0x3F9B];
	s0 =	simm.s32 @p0 $0x1  }
0x13: {  	[smem:$0x3FB6] =	sst s0;
	s0 =	simm.s32 @!p1 $0x0  }
0x14: {  	s2 =	sld [smem:$0x3F9A];
	s0 =	simm.s32 @p1 $0x1  }
0x15: {  	[smem:$0x3FB7] =	sst s0;
	s0 =	simm.s32 @!p2 $0x0  }
0x16: {  	s3 =	sld [smem:$0x3FDB];
	s0 =	simm.s32 @p2 $0x1  }
0x17: {  	s4 =	simm.s32 $0x1BF5;
	[smem:$0x3FB9] =	sst s0  }
0x18: {  	s0 =	sld [smem:$0x3F9C];
	_ =	swait.ge [sflag:s4], $0x0  }
0x19: {  	s7 =	sld [smem:$0x3F9D]  }
0x1a: {  	s8 =	sadd.s32 $0xFFFFE003, lr  }
0x1b: {  	s9 =	sadd.s32 $0xFFFFFEF7, lr;
	s5 =	simm.s32 $0xFFFFFFFF;
	p2 =	slt.u32 s8, $0xFFFFF086  }
0x1c: {  	p1 =	slt.u32 s9, $0xF7A;
	s5 =	simm.s32 @!p2 $0x0  }
0x1d: {  	s5 =	simm.s32 @p1 $0x1;
	p0 =	seq.s32 s7, s2  }
0x1e: {  	s7 =	smul.u32 @!p0 $0xF7A, s2;
	p2 =	seq.s32 @!p0 s5, $0x0  }
0x1f: {  	s9 =	smul.u32 $0xF7A, s1;
	s8 =	simm.s32 @!p0 $0x1BF5;
	p2 =	por !p2, p0  }
0x20: {  	[sflag:s8] =	ssyncset.s32 @!p0 $0xFFFFF086;
	s6 =	sadd.s32 @!p0 s3, s7;
	s7 =	simm.s32 @!p0 $0x108  }
0x21: {  	s3 =	sadd.s32 s3, s9;
	s6 =	sadd.s32 @!p0 $0x88, s6;
	s7 =	simm.s32 @p2 $0x1082  }
0x22: {  	[simem:s7], [sflag:s8] =	dma.local @!p0 [hbm:s6], $0xF7A  }
0x23: {  	s9 =	sor.u32 $0xD0000000, s2;
	s6 =	simm.s32 $0x108;
	_ =	swait.ge @!p0 [sflag:s8], $0x0  }
0x24: {  	s3 =	sadd.s32 $0x88, s3;
	s6 =	simm.s32 @!p1 $0x1082;
	[sflag:s4] =	ssyncset.s32 $0xFFFFF086  }
0x25: {  	[simem:s6], [sflag:s4] =	dma.local [hbm:s3], $0xF7A  }
0x26: {  	[smem:$0x3F9D] =	sst s1;
	(tag) =	ssettag s2;
	_ =	strace s9  }
0x27: {  	s1 =	sld [smem:$0x3FAD]  }
0x28: {  	s2 =	sld [smem:$0x3FAE]  }
0x29: {  	s4 =	sld [smem:$0x3FB0]  }
0x2a: {  	p0 =	seq.s32 s5, $0x0;
	s5 =	sld [smem:$0x3FB1]  }
0x2b: {  	s6 =	sld [smem:$0x3FB2]  }
0x2c: {  	s7 =	sld [smem:$0x3FB3]  }
0x2d: {  	s3 =	simm.s32 $0x108;
	s8 =	sld [smem:$0x3FB4]  }
0x2e: {  	s3 =	simm.s32 @!p0 $0x1082;
	s9 =	sld [smem:$0x3FB5]  }
0x2f: {  	lr =	sadd.s32 s0, s3;
	s0 =	sld [smem:$0x3FAC]  }
0x30: {  	s3 =	sld [smem:$0x3FAF]  }
0x31: {  	[smem:$0x3FB8] =	sst s10  }
0x32: {  	s10 =	sld [smem:$0x3FB6];
	_ =	sdelay $0x3  }
0x33: {  	p0 =	seq.s32 s10, $0x1;
	s10 =	sld [smem:$0x3FB8];
	_ =	sdelay $0x3  }
0x34: {  	[smem:$0x3FB8] =	sst s10  }
0x35: {  	s10 =	sld [smem:$0x3FB7];
	_ =	sdelay $0x3  }
0x36: {  	p1 =	seq.s32 s10, $0x1;
	s10 =	sld [smem:$0x3FB8];
	_ =	sdelay $0x3  }
0x37: {  	[smem:$0x3FB8] =	sst s10  }
0x38: {  	s10 =	sld [smem:$0x3FB9]  }
0x39: {  	_ = 	snop;
	(pc) =	sbr.ind lr, $3  }
0x3a: {  	_ = 	snop  }
0x3b: {  	_ = 	snop  }
0x3c: {  	p2 =	seq.s32 s10, $0x1;
	s10 =	sld [smem:$0x3FB8]  }
0x3d: {  	_ =	shalt  }
0x3e: {  	_ =	shalt  }
0x3f: {  	_ =	shalt  }
0x40: {  	_ =	shalt  }
0x41: {  	_ =	shalt  }
0x42: {  	_ =	shalt  }
0x43: {  	_ =	shalt  }
0x44: {  	_ =	shalt  }
0x45: {  	_ =	shalt  }
0x46: {  	_ =	shalt  }
0x47: {  	_ =	shalt  }
0x48: {  	_ =	shalt  }
0x49: {  	_ =	shalt  }
0x4a: {  	_ =	shalt  }
0x4b: {  	_ =	shalt  }
0x4c: {  	_ =	shalt  }
0x4d: {  	_ =	shalt  }
0x4e: {  	_ =	shalt  }
0x4f: {  	_ =	shalt  }
0x50: {  	_ =	shalt  }
0x51: {  	_ =	shalt  }
0x52: {  	_ =	shalt  }
0x53: {  	_ =	shalt  }
0x54: {  	_ =	shalt  }
0x55: {  	_ =	shalt  }
0x56: {  	_ =	shalt  }
0x57: {  	_ =	shalt  }
0x58: {  	_ =	shalt  }
0x59: {  	_ =	shalt  }
0x5a: {  	_ =	shalt  }
0x5b: {  	_ =	shalt  }
0x5c: {  	_ =	shalt  }
0x5d: {  	_ =	shalt  }
0x5e: {  	_ =	shalt  }
0x5f: {  	_ =	shalt  }
0x60: {  	_ =	shalt  }
0x61: {  	_ =	shalt  }
0x62: {  	_ =	shalt  }
0x63: {  	_ =	shalt  }
0x64: {  	_ =	shalt  }
0x65: {  	_ =	shalt  }
0x66: {  	_ =	shalt  }
0x67: {  	_ =	shalt  }
0x68: {  	_ =	shalt  }
0x69: {  	_ =	shalt  }
0x6a: {  	_ =	shalt  }
0x6b: {  	_ =	shalt  }
0x6c: {  	_ =	shalt  }
0x6d: {  	_ =	shalt  }
0x6e: {  	_ =	shalt  }
0x6f: {  	_ =	shalt  }
0x70: {  	_ =	shalt  }
0x71: {  	_ =	shalt  }
0x72: {  	_ =	shalt  }
0x73: {  	_ =	shalt  }
0x74: {  	_ =	shalt  }
0x75: {  	_ =	shalt  }
0x76: {  	_ =	shalt  }
0x77: {  	_ =	shalt  }
0x78: {  	_ =	shalt  }
0x79: {  	_ =	shalt  }
0x7a: {  	_ =	shalt  }
0x7b: {  	_ =	shalt  }
0x7c: {  	_ =	shalt  }
0x7d: {  	_ =	shalt  }
0x7e: {  	_ =	shalt  }
0x7f: {  	_ =	shalt  }
0x80: {  	_ =	shalt  }
0x81: {  	_ =	shalt  }
0x82: {  	_ =	shalt  }
0x83: {  	_ =	shalt  }
0x84: {  	_ =	shalt  }
0x85: {  	_ =	shalt  }
0x86: {  	_ =	shalt  }
0x87: {  	_ =	shalt  }
.Lfunc_end0:
.L_simem_size_0:
called_computation_lowered:
.L_overlay_start_0:
0x88: {  	s2 =	sld [smem:$0x3FD9]  }
0x89: {  	s3 =	sld [smem:$0x3FFE];
	_ =	sdelay $0x1  }
0x8a: {  	s1 =	srdreg.scid  }
0x8b: {  	s0 =	sand.u32 $0x1, s1  }
0x8c: {  	s17 =	sshll.u32 s0, $0xA;
	s2 =	sadd.s32 s3, s2  }
0x8d: {  	s2 =	sadd.s32 s2, s17  }
0x8e: {  	[smem:$0x3FC4] =	sst s2  }
0x8f: {  	_ = 	snop  }
0x90: {  	s2 =	sld [smem:$0x3FD0];
	(tm) =	ssettm $0x1  }
0x91: {  	s18 =	sld [smem:$0x3FFB];
	_ =	sdelay $0x3  }
0x92: {  	_ =	strace s18  }
0x93: {  	s3 =	sld [smem:$0x3FFC];
	_ =	sdelay $0x3  }
0x94: {  	_ =	strace s3  }
0x95: {  	s3 =	sld [smem:$0x3FFD];
	_ =	sdelay $0x3  }
0x96: {  	_ =	strace s3  }
0x97: {  	_ =	strace $0x8FFFFFFF  }
0x98: {  	s19 =	sld [smem:$0x3FDB];
	_ =	sdelay $0x1  }
0x99: {  	s4 =	simm.s32 $_scs_section_size  }
0x9a: {  	s5 =	simm.s32 $_size__tile_overlayer_lowered;
	s6 =	simm.s32 $_tile_overlayer_lowered  }
0x9b: {  	s22 =	simm.s32 $0x1BFF;
	s21 =	sshll.u32 s6, $0x1;
	s3 =	sadd.s32 s4, s19  }
0x9c: {  	s7 =	simm.s32 $0x0;
	s20 =	sshll.u32 s5, $0x1;
	s5 =	sadd.s32 s21, s3  }
0x9d: {  	[timem:s7], [sflag:s22] =	dma.local [hbm:s5], s20  }
0x9e: {  	_ =	swait.ge [sflag:s22], s20  }
0x9f: {  	s4 =	ssub.s32 $0x0, s20;
	[sflag:s22] =	ssyncset.done $0x0  }
0xa0: {  	[sflag:s22] =	ssyncadd.s32 s4;
	_ =	sdelay $0x1  }
0xa1: {  	s23 =	simm.s32 $0x1B8B  }
0xa2: {  	_ =	swait.ge [sflag:s23], $0x1  }
0xa3: {  	[sflag:s23] =	ssyncset.done $0x0  }
0xa4: {  	s25 =	simm.s32 $0x1B8E;
	s24 =	sld [smem:$0x3FFE];
	[sflag:s23] =	ssyncadd.s32 $0xFFFFFFFF  }
0xa5: {  	s26 =	simm.s32 $execute0_lowered;
	[smem:$0x3FD2] =	sst s25  }
0xa6: {  	s5 =	sshll.u32 s26, $0x1;
	_ =	strace $0x80000046;
	[dreg:$0x1] =	wrdreg $0xFFFFFFFF  }
0xa7: {  	s28 =	simm.s32 $_size_execute0_lowered;
	s3 =	sadd.s32 s3, s5;
	[dreg:$0x0] =	wrdreg $0x0  }
0xa8: {  	s5 =	sshll.u32 s28, $0x1;
	[dreg:$0x2] =	wrdreg s3  }
0xa9: {  	[dreg:$0x3] =	wrdreg s5  }
0xaa: {  	[dreg:$0x4] =	wrdreg $0xC0  }
0xab: {  	_ =	task [dreg:s7], $0x5FFFF  }
0xac: {  	[dreg:$0x1] =	wrdreg $0xFFFFFFFF  }
0xad: {  	[dreg:$0x0] =	wrdreg $0x60  }
0xae: {  	[dreg:$0x2] =	wrdreg s2  }
0xaf: {  	[dreg:$0x3] =	wrdreg s24  }
0xb0: {  	[dreg:$0x4] =	wrdreg $0x53000  }
0xb1: {  	[dreg:$0x5] =	wrdreg $0x9  }
0xb2: {  	_ =	task.clear_ibuf [dreg:s7], $0x6FFFF;
	_ =	strace $0x90000046  }
0xb3: {  	s29 =	simm.s32 $0x9;
	_ =	strace $0x80000048  }
0xb4: {  	_ =	swait.ge [sflag:s29], $0x1  }
0xb5: {  	[sflag:s29] =	ssyncadd.s32 $0xFFFFFFFF  }
0xb6: {  	_ =	strace $0x90000048  }
0xb7: {  	_ =	sfence  }
0xb8: {  	s30 =	sld [smem:$0x0];
	_ =	sdelay $0x2  }
0xb9: {  	s31 =	sshll.u32 s1, $0xD;
	s1 =	sshrl.u32 s1, $0x2  }
0xba: {  	s3 =	sand.u32 $0x4000, s31;
	s1 =	sadd.s32 s1, s30  }
0xbb: {  	s0 =	sor.u32 s3, s0;
	s1 =	sshll.u32 s1, $0x11  }
0xbc: {  	s0 =	sor.u32 s1, s0  }
0xbd: {  	s0 =	sadd.s32 $0x8F2B, s0  }
0xbe: {  	[sflag:s0] =	ssyncadd.remote.s32 $0x1  }
0xbf: {  	_ =	sfence.sel $0xFFFF  }
0xc0: {  	[dreg:$0x0] =	wrdreg $0xFFFFFFFF;
	(pc) =	sbr.abs _section_cstart, $3  }
0xc1: {  	[dreg:$0x1] =	wrdreg $0xFFFFFFFF  }
0xc2: {  	_ =	task.clear_ibuf [dreg:s7], $0x2FFFF;
	_ =	strace $0x9FFFFFFF  }
0xc3: {  	(tm) =	ssettm $0x7FFFFFFF  }
tec
execute0_lowered:
.L_overlay_start_1:
0x0: {  	(tag) =	ssettag $0x1  }
0x1: {  	s4 =	rddreg [dreg:$0x0]  }
0x2: {  	s1 =	srdreg.scid;
	s5 =	rddreg [dreg:$0x1]  }
0x3: {  	s0 =	stileid.u32;
	s2 =	rddreg [dreg:$0x2]  }
0x4: {  	s3 =	simm.s32 $0x0;
	s11 =	simm.s32 $0x5000;
	s7 =	smul.u32 $0x280, s0  }
0x5: {  	s12 =	simm.s32 $0x1;
	s6 =	sand.u32 $0x1, s1;
	s10 =	smul.u32 $0x5000, s0  }
0x6: {  	s15 =	simm.s32 $0x0;
	s1 =	rddreg [dreg:$0x3];
	s8 =	smul.u32 $0x2800, s6  }
0x7: {  	[smem:$0x7FF] =	sst s3;
	s13 =	sshll.u32 s0, $0x6;
	s9 =	smul.u32 $0x50000, s6  }
0x8: {  	_ =	strace $0x80000047;
	s6 =	ssub.s32 $0x2, s6;
	s13 =	sor.u32 $0x1C02, s13  }
0x9: {  	s31 =	sshrl.u32 s6, $0x1;
	s8 =	sadd.s32 s7, s8;
	s9 =	sadd.s32 s10, s9  }
0xa: {  	s10 =	ssub.s32 s6, s31;
	s8 =	sshrl.u32 s8, $0x3;
	s9 =	sshrl.u32 s9, $0x3  }
0xb: {  	s8 =	sadd.s32 s8, s5;
	s4 =	sadd.s32 s4, s9;
	s5 =	sadd.s32 s7, s2  }
0xc: {  	s7 =	smax.u32 s10, $0x1;
	s9 =	simm.s32 $0x5080;
	s10 =	simm.s32 $0x80  }
0xd: {  	v0 =	vimm.f32 $1.000000000e+00;
	v1 =	vimm.f32 $0.0e+00;
	s6 =	sadd.s32 $0xB200, s8;
	s8 =	simm.s32 $0x2;
	s14 =	sshrl.u32 s5, $0x3  }
.LBB2_1:
0xe: {  	[tilespmem:s3], [sflag:$0x2] =	stream.linear.gather [hbm4b:s4+s3], $0x5000, $0x38;
	[tilespmem:$0x5580] =	vst v63  }
0xf: {  	_ =	swait.ge [sflag:s8], $0x5000  }
0x10: {  	[sflag:s8] =	ssyncset.done $0x0  }
0x11: {  	[sflag:s8] =	ssyncadd.s32 $0xFFFFB000  }
0x12: {  	[tilespmem:$0x5000] =	vst v0  }
0x13: {  	[tilespmem:$0x5010] =	vst v0  }
0x14: {  	[tilespmem:$0x5020] =	vst v0  }
0x15: {  	[tilespmem:$0x5030] =	vst v0  }
0x16: {  	[tilespmem:$0x5040] =	vst v0  }
0x17: {  	[tilespmem:$0x5050] =	vst v0  }
0x18: {  	[tilespmem:$0x5060] =	vst v0  }
0x19: {  	[tilespmem:$0x5070] =	vst v0  }
0x1a: {  	[tilespmem:$0x5080] =	vst v1  }
0x1b: {  	[tilespmem:$0x5090] =	vst v1  }
0x1c: {  	[tilespmem:$0x50A0] =	vst v1  }
0x1d: {  	[tilespmem:$0x50B0] =	vst v1  }
0x1e: {  	[tilespmem:$0x50C0] =	vst v1  }
0x1f: {  	[tilespmem:$0x50D0] =	vst v1  }
0x20: {  	[tilespmem:$0x50E0] =	vst v1  }
0x21: {  	[tilespmem:$0x50F0] =	vst v1  }
0x22: {  	[tilespmem:$0x5100] =	vst v1  }
0x23: {  	[tilespmem:$0x5110] =	vst v1  }
0x24: {  	[tilespmem:$0x5120] =	vst v1  }
0x25: {  	[tilespmem:$0x5130] =	vst v1  }
0x26: {  	[tilespmem:$0x5140] =	vst v1  }
0x27: {  	[tilespmem:$0x5150] =	vst v1  }
0x28: {  	[tilespmem:$0x5160] =	vst v1  }
0x29: {  	[tilespmem:$0x5170] =	vst v1  }
0x2a: {  	[tilespmem:$0x5180] =	vst v1  }
0x2b: {  	[tilespmem:$0x5190] =	vst v1  }
0x2c: {  	[tilespmem:$0x51A0] =	vst v1  }
0x2d: {  	[tilespmem:$0x51B0] =	vst v1  }
0x2e: {  	[tilespmem:$0x51C0] =	vst v1  }
0x2f: {  	[tilespmem:$0x51D0] =	vst v1  }
0x30: {  	[tilespmem:$0x51E0] =	vst v1  }
0x31: {  	[tilespmem:$0x51F0] =	vst v1  }
0x32: {  	[tilespmem:$0x5200] =	vst v1  }
0x33: {  	[tilespmem:$0x5210] =	vst v1  }
0x34: {  	[tilespmem:$0x5220] =	vst v1  }
0x35: {  	[tilespmem:$0x5230] =	vst v1  }
0x36: {  	[tilespmem:$0x5240] =	vst v1  }
0x37: {  	[tilespmem:$0x5250] =	vst v1  }
0x38: {  	[tilespmem:$0x5260] =	vst v1  }
0x39: {  	[tilespmem:$0x5270] =	vst v1  }
0x3a: {  	[tilespmem:$0x5280] =	vst v1  }
0x3b: {  	[tilespmem:$0x5290] =	vst v1  }
0x3c: {  	[tilespmem:$0x52A0] =	vst v1  }
0x3d: {  	[tilespmem:$0x52B0] =	vst v1  }
0x3e: {  	[tilespmem:$0x52C0] =	vst v1  }
0x3f: {  	[tilespmem:$0x52D0] =	vst v1  }
0x40: {  	[tilespmem:$0x52E0] =	vst v1  }
0x41: {  	[tilespmem:$0x52F0] =	vst v1  }
0x42: {  	[spmem:s5] =	stream.linear.scatter [tilespmem:s9], [sflag:$0x2], $0x280, $0x38;
	[tilespmem:$0x5580] =	vst v63  }
0x43: {  	_ =	swait.ge [sflag:s8], $0x280  }
0x44: {  	[sflag:s8] =	ssyncset.done $0x0  }
0x45: {  	[sflag:s8] =	ssyncadd.s32 $0xFFFFFD80  }
0x46: {  	[bflag:$0x0] =	sbarrier.arrive $0xFFFF  }
0x47: {  	[spmem:s2] =	stream.indirect.scatter.add.f32 [tilespmem:s11], [sflag:$0x1], $0x1, s3, s10, $0xb8;
	[tilespmem:$0x5580] =	vst v63  }
0x48: {  	_ =	swait.ge [sflag:s12], $0x80  }
0x49: {  	[sflag:s12] =	ssyncset.done $0x0  }
0x4a: {  	s16 =	simm.s32 $0x400;
	s17 =	simm.s32 $0x80;
	[sflag:s12] =	ssyncadd.s32 $0xFFFFFF80  }
.LBB2_2:
0x4b: {  	[spmem:s2] =	stream.indirect.scatter.add.f32 [tilespmem:s11], [sflag:$0x1], $0x1, s17, s10, $0xb8;
	[tilespmem:$0x5580] =	vst v63  }
0x4c: {  	s17 =	smov.u32 s16;
	p0 =	sne.s32 s16, $0x13E00  }
.Ltmp0:
0x4d: {  	s16 =	sadd.s32 $0x200, s16;
	(pc) =	sbr.rel @p0 .LBB2_2-.Ltmp0, $4  }
0x4e: {  	_ = 	snop  }
0x4f: {  	_ =	swait.ge [sflag:s12], $0x80  }
0x50: {  	[sflag:s12] =	ssyncset.done $0x0  }
0x51: {  	s17 =	sshra.s32 s17, $0x2;
	[sflag:s12] =	ssyncadd.s32 $0xFFFFFF80  }
0x52: {  	[spmem:s2] =	stream.indirect.scatter.add.f32 [tilespmem:s11], [sflag:$0x1], $0x1, s17, s10, $0xb8;
	[tilespmem:$0x5580] =	vst v63  }
0x53: {  	_ =	swait.ge [sflag:s12], $0x80  }
0x54: {  	s15 =	sadd.s32 $0x1, s15;
	[sflag:s12] =	ssyncset.done $0x0  }
0x55: {  	p0 =	sne.s32 s15, s7;
	[sflag:s12] =	ssyncadd.s32 $0xFFFFFF80  }
.Ltmp1:
0x56: {  	[bflag:$0x0] =	sbarrier.arrive $0xFFFF;
	(pc) =	sbr.rel @p0 .LBB2_1-.Ltmp1, $4  }
0x57: {  	[hbm:s6], [sflag:s13] =	dma.local [spmem:s14], $0x50  }
0x58: {  	_ =	swait.ge [sflag:s8], $0x50  }
0x59: {  	[sflag:s8] =	ssyncset.done $0x0  }
0x5a: {  	[sflag:s8] =	ssyncadd.s32 $0xFFFFFFB0  }
0x5b: {  	_ =	sfence.sel $0x180000  }
0x5c: {  	[bflag:$0x0] =	sbarrier.arrive $0xFFFF  }
0x5d: {  	p0 =	sne.s32 s0, $0x0;
	_ =	strace $0x90000047  }
0x5e: {  	s0 =	sadd.s32 @!p0 $0x100000, s1;
	[bflag:$0x2] =	sbarrier.arrive $0xFFFF  }
0x5f: {  	[sflag:s0] =	ssyncadd.tile.s32 @!p0 $0x1;
	_ =	shalt  }
.Lfunc_end2:
_tile_overlayer_lowered:
.L_overlay_start_2:
0x60: {  	(tag) =	ssettag $0x2  }
0x61: {  	s0 =	rddreg [dreg:$0x0];
	s2 =	stileid.u32  }
0x62: {  	s1 =	rddreg [dreg:$0x1];
	p0 =	sne.s32 s2, $0x0  }
0x63: {  	s3 =	rddreg [dreg:$0x2];
	[bflag:$0x3] =	sbarrier.arrive $0xFFFF;
	s2 =	simm.s32 @!p0 $0x1C02  }
0x64: {  	[timem:s3], [sflag:s2] =	dma.local @!p0 [hbm:s0], s1  }
0x65: {  	s0 =	simm.s32 @!p0 $0x2  }
0x66: {  	_ =	swait.ge @!p0 [sflag:s0], s1  }
0x67: {  	s1 =	ssub.s32 @!p0 $0x0, s1;
	[sflag:s0] =	ssyncset.done @!p0 $0x0  }
0x68: {  	[sflag:s0] =	ssyncadd.s32 @!p0 s1  }
0x69: {  	[bflag:$0x3] =	sbarrier.arrive $0xFFFF  }
0x6a: {  	_ =	shalt  }

// kernel: kernel.9.cloned.1.call-start
scs
__scs_entry_jumppad:
0x0: {  	(pc) =	sbr.rel $0x88, $3  }
0x1: {  	(tag) =	ssettag $0x0;
	lr =	simm.s32 $0x1  }
0x2: {  	[smem:$0x3F9D] =	sst lr;
	_ =	strace $0xD0000000  }
0x3: {  	_ = 	snop  }
0x4: {  	_ = 	snop  }
0x5: {  	_ = 	snop  }
0x6: {  	_ = 	snop  }
0x7: {  	_ = 	snop  }
__scs_overlays_trampoline_lowered:
0x8: {  	[smem:$0x3FAC] =	sst s0  }
0x9: {  	[smem:$0x3FAD] =	sst s1  }
0xa: {  	[smem:$0x3FAE] =	sst s2  }
0xb: {  	[smem:$0x3FAF] =	sst s3  }
0xc: {  	[smem:$0x3FB0] =	sst s4  }
0xd: {  	[smem:$0x3FB1] =	sst s5  }
0xe: {  	[smem:$0x3FB2] =	sst s6  }
0xf: {  	[smem:$0x3FB3] =	sst s7  }
0x10: {  	[smem:$0x3FB4] =	sst s8  }
0x11: {  	[smem:$0x3FB5] =	sst s9;
	s0 =	simm.s32 @!p0 $0x0  }
0x12: {  	s1 =	sld [smem:$0x3F9B];
	s0 =	simm.s32 @p0 $0x1  }
0x13: {  	[smem:$0x3FB6] =	sst s0;
	s0 =	simm.s32 @!p1 $0x0  }
0x14: {  	s2 =	sld [smem:$0x3F9A];
	s0 =	simm.s32 @p1 $0x1  }
0x15: {  	[smem:$0x3FB7] =	sst s0;
	s0 =	simm.s32 @!p2 $0x0  }
0x16: {  	s3 =	sld [smem:$0x3FDB];
	s0 =	simm.s32 @p2 $0x1  }
0x17: {  	s4 =	simm.s32 $0x1BF5;
	[smem:$0x3FB9] =	sst s0  }
0x18: {  	s0 =	sld [smem:$0x3F9C];
	_ =	swait.ge [sflag:s4], $0x0  }
0x19: {  	s7 =	sld [smem:$0x3F9D]  }
0x1a: {  	s8 =	sadd.s32 $0xFFFFE003, lr  }
0x1b: {  	s9 =	sadd.s32 $0xFFFFFEF7, lr;
	s5 =	simm.s32 $0xFFFFFFFF;
	p2 =	slt.u32 s8, $0xFFFFF086  }
0x1c: {  	p1 =	slt.u32 s9, $0xF7A;
	s5 =	simm.s32 @!p2 $0x0  }
0x1d: {  	s5 =	simm.s32 @p1 $0x1;
	p0 =	seq.s32 s7, s2  }
0x1e: {  	s7 =	smul.u32 @!p0 $0xF7A, s2;
	p2 =	seq.s32 @!p0 s5, $0x0  }
0x1f: {  	s9 =	smul.u32 $0xF7A, s1;
	s8 =	simm.s32 @!p0 $0x1BF5;
	p2 =	por !p2, p0  }
0x20: {  	[sflag:s8] =	ssyncset.s32 @!p0 $0xFFFFF086;
	s6 =	sadd.s32 @!p0 s3, s7;
	s7 =	simm.s32 @!p0 $0x108  }
0x21: {  	s3 =	sadd.s32 s3, s9;
	s6 =	sadd.s32 @!p0 $0x88, s6;
	s7 =	simm.s32 @p2 $0x1082  }
0x22: {  	[simem:s7], [sflag:s8] =	dma.local @!p0 [hbm:s6], $0xF7A  }
0x23: {  	s9 =	sor.u32 $0xD0000000, s2;
	s6 =	simm.s32 $0x108;
	_ =	swait.ge @!p0 [sflag:s8], $0x0  }
0x24: {  	s3 =	sadd.s32 $0x88, s3;
	s6 =	simm.s32 @!p1 $0x1082;
	[sflag:s4] =	ssyncset.s32 $0xFFFFF086  }
0x25: {  	[simem:s6], [sflag:s4] =	dma.local [hbm:s3], $0xF7A  }
0x26: {  	[smem:$0x3F9D] =	sst s1;
	(tag) =	ssettag s2;
	_ =	strace s9  }
0x27: {  	s1 =	sld [smem:$0x3FAD]  }
0x28: {  	s2 =	sld [smem:$0x3FAE]  }
0x29: {  	s4 =	sld [smem:$0x3FB0]  }
0x2a: {  	p0 =	seq.s32 s5, $0x0;
	s5 =	sld [smem:$0x3FB1]  }
0x2b: {  	s6 =	sld [smem:$0x3FB2]  }
0x2c: {  	s7 =	sld [smem:$0x3FB3]  }
0x2d: {  	s3 =	simm.s32 $0x108;
	s8 =	sld [smem:$0x3FB4]  }
0x2e: {  	s3 =	simm.s32 @!p0 $0x1082;
	s9 =	sld [smem:$0x3FB5]  }
0x2f: {  	lr =	sadd.s32 s0, s3;
	s0 =	sld [smem:$0x3FAC]  }
0x30: {  	s3 =	sld [smem:$0x3FAF]  }
0x31: {  	[smem:$0x3FB8] =	sst s10  }
0x32: {  	s10 =	sld [smem:$0x3FB6];
	_ =	sdelay $0x3  }
0x33: {  	p0 =	seq.s32 s10, $0x1;
	s10 =	sld [smem:$0x3FB8];
	_ =	sdelay $0x3  }
0x34: {  	[smem:$0x3FB8] =	sst s10  }
0x35: {  	s10 =	sld [smem:$0x3FB7];
	_ =	sdelay $0x3  }
0x36: {  	p1 =	seq.s32 s10, $0x1;
	s10 =	sld [smem:$0x3FB8];
	_ =	sdelay $0x3  }
0x37: {  	[smem:$0x3FB8] =	sst s10  }
0x38: {  	s10 =	sld [smem:$0x3FB9]  }
0x39: {  	_ = 	snop;
	(pc) =	sbr.ind lr, $3  }
0x3a: {  	_ = 	snop  }
0x3b: {  	_ = 	snop  }
0x3c: {  	p2 =	seq.s32 s10, $0x1;
	s10 =	sld [smem:$0x3FB8]  }
0x3d: {  	_ =	shalt  }
0x3e: {  	_ =	shalt  }
0x3f: {  	_ =	shalt  }
0x40: {  	_ =	shalt  }
0x41: {  	_ =	shalt  }
0x42: {  	_ =	shalt  }
0x43: {  	_ =	shalt  }
0x44: {  	_ =	shalt  }
0x45: {  	_ =	shalt  }
0x46: {  	_ =	shalt  }
0x47: {  	_ =	shalt  }
0x48: {  	_ =	shalt  }
0x49: {  	_ =	shalt  }
0x4a: {  	_ =	shalt  }
0x4b: {  	_ =	shalt  }
0x4c: {  	_ =	shalt  }
0x4d: {  	_ =	shalt  }
0x4e: {  	_ =	shalt  }
0x4f: {  	_ =	shalt  }
0x50: {  	_ =	shalt  }
0x51: {  	_ =	shalt  }
0x52: {  	_ =	shalt  }
0x53: {  	_ =	shalt  }
0x54: {  	_ =	shalt  }
0x55: {  	_ =	shalt  }
0x56: {  	_ =	shalt  }
0x57: {  	_ =	shalt  }
0x58: {  	_ =	shalt  }
0x59: {  	_ =	shalt  }
0x5a: {  	_ =	shalt  }
0x5b: {  	_ =	shalt  }
0x5c: {  	_ =	shalt  }
0x5d: {  	_ =	shalt  }
0x5e: {  	_ =	shalt  }
0x5f: {  	_ =	shalt  }
0x60: {  	_ =	shalt  }
0x61: {  	_ =	shalt  }
0x62: {  	_ =	shalt  }
0x63: {  	_ =	shalt  }
0x64: {  	_ =	shalt  }
0x65: {  	_ =	shalt  }
0x66: {  	_ =	shalt  }
0x67: {  	_ =	shalt  }
0x68: {  	_ =	shalt  }
0x69: {  	_ =	shalt  }
0x6a: {  	_ =	shalt  }
0x6b: {  	_ =	shalt  }
0x6c: {  	_ =	shalt  }
0x6d: {  	_ =	shalt  }
0x6e: {  	_ =	shalt  }
0x6f: {  	_ =	shalt  }
0x70: {  	_ =	shalt  }
0x71: {  	_ =	shalt  }
0x72: {  	_ =	shalt  }
0x73: {  	_ =	shalt  }
0x74: {  	_ =	shalt  }
0x75: {  	_ =	shalt  }
0x76: {  	_ =	shalt  }
0x77: {  	_ =	shalt  }
0x78: {  	_ =	shalt  }
0x79: {  	_ =	shalt  }
0x7a: {  	_ =	shalt  }
0x7b: {  	_ =	shalt  }
0x7c: {  	_ =	shalt  }
0x7d: {  	_ =	shalt  }
0x7e: {  	_ =	shalt  }
0x7f: {  	_ =	shalt  }
0x80: {  	_ =	shalt  }
0x81: {  	_ =	shalt  }
0x82: {  	_ =	shalt  }
0x83: {  	_ =	shalt  }
0x84: {  	_ =	shalt  }
0x85: {  	_ =	shalt  }
0x86: {  	_ =	shalt  }
0x87: {  	_ =	shalt  }
.Lfunc_end0:
.L_simem_size_0:
called_computation.1_lowered:
.L_overlay_start_0:
0x88: {  	s2 =	sld [smem:$0x3FD9]  }
0x89: {  	s3 =	sld [smem:$0x3FFE];
	_ =	sdelay $0x1  }
0x8a: {  	s1 =	srdreg.scid  }
0x8b: {  	s0 =	sand.u32 $0x1, s1  }
0x8c: {  	s16 =	sshll.u32 s0, $0xA;
	s2 =	sadd.s32 s3, s2  }
0x8d: {  	s2 =	sadd.s32 s2, s16  }
0x8e: {  	[smem:$0x3FC4] =	sst s2  }
0x8f: {  	_ = 	snop  }
0x90: {  	(tm) =	ssettm $0x1  }
0x91: {  	s17 =	sld [smem:$0x3FFB];
	_ =	sdelay $0x3  }
0x92: {  	_ =	strace s17  }
0x93: {  	s2 =	sld [smem:$0x3FFC];
	_ =	sdelay $0x3  }
0x94: {  	_ =	strace s2  }
0x95: {  	s2 =	sld [smem:$0x3FFD];
	_ =	sdelay $0x3  }
0x96: {  	_ =	strace s2  }
0x97: {  	_ =	strace $0x8FFFFFFF  }
0x98: {  	s18 =	sld [smem:$0x3FDB];
	_ =	sdelay $0x1  }
0x99: {  	s19 =	simm.s32 $_scs_section_size  }
0x9a: {  	s4 =	simm.s32 $_size__tile_overlayer_lowered;
	s5 =	simm.s32 $_tile_overlayer_lowered  }
0x9b: {  	s22 =	simm.s32 $0x1BFF;
	s21 =	sshll.u32 s5, $0x1;
	s2 =	sadd.s32 s19, s18  }
0x9c: {  	s6 =	simm.s32 $0x0;
	s20 =	sshll.u32 s4, $0x1;
	s4 =	sadd.s32 s21, s2  }
0x9d: {  	[timem:s6], [sflag:s22] =	dma.local [hbm:s4], s20  }
0x9e: {  	_ =	swait.ge [sflag:s22], s20  }
0x9f: {  	s3 =	ssub.s32 $0x0, s20;
	[sflag:s22] =	ssyncset.done $0x0  }
0xa0: {  	[sflag:s22] =	ssyncadd.s32 s3;
	_ =	sdelay $0x1  }
0xa1: {  	s23 =	simm.s32 $0x1B8B  }
0xa2: {  	_ =	swait.ge [sflag:s23], $0x1  }
0xa3: {  	[sflag:s23] =	ssyncset.done $0x0  }
0xa4: {  	s25 =	simm.s32 $0x1B8E;
	s24 =	sld [smem:$0x3FFE];
	[sflag:s23] =	ssyncadd.s32 $0xFFFFFFFF  }
0xa5: {  	s26 =	simm.s32 $execute0_lowered;
	[smem:$0x3FD2] =	sst s25  }
0xa6: {  	s4 =	sshll.u32 s26, $0x1;
	_ =	strace $0x80000049;
	[dreg:$0x1] =	wrdreg $0xFFFFFFFF  }
0xa7: {  	s28 =	simm.s32 $_size_execute0_lowered;
	s2 =	sadd.s32 s2, s4;
	[dreg:$0x0] =	wrdreg $0x0  }
0xa8: {  	s4 =	sshll.u32 s28, $0x1;
	[dreg:$0x2] =	wrdreg s2  }
0xa9: {  	[dreg:$0x3] =	wrdreg s4  }
0xaa: {  	[dreg:$0x4] =	wrdreg $0xC0  }
0xab: {  	_ =	task [dreg:s6], $0x5FFFF  }
0xac: {  	[dreg:$0x1] =	wrdreg $0xFFFFFFFF  }
0xad: {  	[dreg:$0x0] =	wrdreg $0x60  }
0xae: {  	[dreg:$0x2] =	wrdreg s24  }
0xaf: {  	[dreg:$0x3] =	wrdreg $0x120000  }
0xb0: {  	[dreg:$0x4] =	wrdreg $0x9  }
0xb1: {  	_ =	task.clear_ibuf [dreg:s6], $0x5FFFF;
	_ =	strace $0x90000049  }
0xb2: {  	s29 =	simm.s32 $0x9;
	_ =	strace $0x8000004B  }
0xb3: {  	_ =	swait.ge [sflag:s29], $0x1  }
0xb4: {  	[sflag:s29] =	ssyncadd.s32 $0xFFFFFFFF  }
0xb5: {  	_ =	strace $0x9000004B  }
0xb6: {  	_ =	sfence  }
0xb7: {  	s30 =	sld [smem:$0x0];
	_ =	sdelay $0x2  }
0xb8: {  	s31 =	sshll.u32 s1, $0xD;
	s1 =	sshrl.u32 s1, $0x2  }
0xb9: {  	s3 =	sand.u32 $0x4000, s31;
	s1 =	sadd.s32 s1, s30  }
0xba: {  	s0 =	sor.u32 s3, s0;
	s1 =	sshll.u32 s1, $0x11  }
0xbb: {  	s0 =	sor.u32 s1, s0  }
0xbc: {  	s0 =	sadd.s32 $0x8F2B, s0  }
0xbd: {  	[sflag:s0] =	ssyncadd.remote.s32 $0x1  }
0xbe: {  	_ =	sfence.sel $0xFFFF  }
0xbf: {  	[dreg:$0x0] =	wrdreg $0xFFFFFFFF;
	(pc) =	sbr.abs _section_cstart, $3  }
0xc0: {  	[dreg:$0x1] =	wrdreg $0xFFFFFFFF  }
0xc1: {  	_ =	task.clear_ibuf [dreg:s6], $0x2FFFF;
	_ =	strace $0x9FFFFFFF  }
0xc2: {  	(tm) =	ssettm $0x7FFFFFFF  }
0xc3: {  	_ =	shalt  }
tec
execute0_lowered:
.L_overlay_start_1:
0x0: {  	(tag) =	ssettag $0x1  }
0x1: {  	s0 =	srdreg.scid;
	s1 =	rddreg [dreg:$0x0]  }
0x2: {  	s3 =	stileid.u32;
	s2 =	rddreg [dreg:$0x1]  }
0x3: {  	s6 =	simm.s32 $0x0;
	s14 =	simm.s32 $0x9;
	s15 =	simm.s32 $0x5000  }
0x4: {  	s16 =	simm.s32 $0xA000;
	s17 =	simm.s32 $0x80;
	s18 =	simm.s32 $0xC000  }
0x5: {  	s20 =	simm.s32 $0xE000;
	s21 =	simm.s32 $0x1;
	s5 =	smul.u32 $0x5000, s3  }
0x6: {  	s29 =	simm.s32 $0x3;
	s30 =	simm.s32 $0x6;
	s7 =	smul.u32 $0xA000, s3  }
0x7: {  	s19 =	simm.s32 $0x7;
	s0 =	sand.u32 $0x1, s0;
	s9 =	smul.u32 $0x28000, s3  }
0x8: {  	s28 =	simm.s32 $0x8;
	s31 =	simm.s32 $0x0;
	s4 =	smul.u32 $0x50000, s0  }
0x9: {  	[smem:$0x7FF] =	sst s6;
	s8 =	smul.u32 $0xA0000, s0;
	s0 =	ssub.s32 $0x2, s0  }
0xa: {  	_ =	strace $0x8000004A;
	s23 =	sshrl.u32 s0, $0x1;
	s25 =	sshrl.u32 s9, $0x2  }
0xb: {  	s22 =	sadd.s32 s5, s4;
	s4 =	sadd.s32 $0x1FC00, s1;
	s5 =	sshrl.u32 s5, $0x3  }
0xc: {  	s8 =	sadd.s32 s7, s8;
	s0 =	ssub.s32 s0, s23;
	s7 =	sadd.s32 s7, s2  }
0xd: {  	s11 =	sadd.s32 s25, s2;
	s23 =	simm.s32 $0x10000;
	s25 =	simm.s32 $0x5  }
0xe: {  	s6 =	sshrl.u32 s22, $0x3;
	s8 =	sshrl.u32 s8, $0x3;
	s10 =	sadd.s32 s5, s1  }
.Ltmp0:
0xf: {  	s9 =	sadd.s32 $0x4000, s11;
	s13 =	smax.u32 s0, $0x1;
	(pc) =	sbr.rel .LBB2_1-.Ltmp0, $4  }
0x10: {  	s0 =	simm.s32 $0x4;
	s6 =	sadd.s32 s6, s1;
	s1 =	sadd.s32 s8, s1  }
0x11: {  	s26 =	sadd.s32 $0x1200, s10;
	s8 =	sadd.s32 $0x2000, s11;
	s10 =	sadd.s32 $0x6000, s11  }
0x12: {  	s11 =	sadd.s32 $0x8000, s11;
	s24 =	sadd.s32 $0xBC00, s6;
	[dreg:$0x4] =	wrdreg s26  }
0x13: {  	v0 =	vimm.f32 $0.0e+00;
	s12 =	sadd.s32 $0x47C00, s1;
	[dreg:$0x3] =	wrdreg s24;
	s24 =	simm.s32 $0x2  }
.LBB2_6:
0x14: {  	_ =	swait.ge [sflag:s28], $0x2000;
	s1 =	stileid.u32  }
0x15: {  	s3 =	sshrl.u32 s7, $0x3;
	s31 =	sadd.s32 $0x1, s31;
	[sflag:s28] =	ssyncset.done $0x0  }
0x16: {  	s1 =	sshll.u32 s1, $0x6;
	p0 =	sne.s32 s31, s13;
	[sflag:s28] =	ssyncadd.s32 $0xFFFFE000  }
.Ltmp1:
0x17: {  	s1 =	sor.u32 $0x1C09, s1;
	[bflag:$0x0] =	sbarrier.arrive $0xFFFF;
	(pc) =	sbr.rel @!p0 .LBB2_7-.Ltmp1, $4  }
0x18: {  	[hbm:s12], [sflag:s1] =	dma.local [spmem:s3], $0x1400  }
0x19: {  	_ =	swait.ge [sflag:s14], $0x1400  }
0x1a: {  	[sflag:s14] =	ssyncset.done $0x0  }
0x1b: {  	[sflag:s14] =	ssyncadd.s32 $0xFFFFEC00  }
.LBB2_1:
0x1c: {  	s1 =	simm.s32 $0x0;
	s3 =	rddreg [dreg:$0x3]  }
0x1d: {  	[tilespmem:s1], [sflag:$0x9] =	stream.linear.gather [hbm4b:s3+s1], $0x5000, $0x38;
	[tilespmem:$0x1C000] =	vst v63  }
0x1e: {  	_ =	swait.ge [sflag:s14], $0x5000  }
0x1f: {  	[sflag:s14] =	ssyncset.done $0x0  }
0x20: {  	s26 =	rddreg [dreg:$0x4];
	[sflag:s14] =	ssyncadd.s32 $0xFFFFB000  }
0x21: {  	[tilespmem:s15], [sflag:$0x9] =	stream.linear.gather [hbm4b:s26+s1], $0x5000, $0x38;
	[tilespmem:$0x1C000] =	vst v63  }
0x22: {  	_ =	swait.ge [sflag:s14], $0x5000  }
0x23: {  	[sflag:s14] =	ssyncset.done $0x0  }
0x24: {  	s22 =	simm.s32 $0x100;
	s1 =	simm.s32 $0x0;
	[sflag:s14] =	ssyncadd.s32 $0xFFFFB000  }
.LBB2_2:
0x25: {  	p0 =	sne.s32 s22, $0x7F00;
	[tilespmem:s1+$0xA030] =	vst v0;
	s26 =	smov.u32 s22;
	s22 =	sadd.s32 $0x100, s22  }
.Ltmp2:
0x26: {  	[tilespmem:s1+$0xA020] =	vst v0;
	(pc) =	sbr.rel @p0 .LBB2_2-.Ltmp2, $3  }
0x27: {  	[tilespmem:s1+$0xA000] =	vst v0  }
0x28: {  	[tilespmem:s1+$0xA010] =	vst v0;
	_ =	sdelay $0x1  }
0x29: {  	s1 =	sshra.s32 s26, $0x2  }
0x2a: {  	[tilespmem:s1+$0xA030] =	vst v0  }
0x2b: {  	[tilespmem:s1+$0xA020] =	vst v0  }
0x2c: {  	[tilespmem:s1+$0xA000] =	vst v0  }
0x2d: {  	[tilespmem:s1+$0xA010] =	vst v0  }
0x2e: {  	[spmem:s7] =	stream.linear.scatter [tilespmem:s16], [sflag:$0x9], $0x2000, $0x38;
	[tilespmem:$0x1C000] =	vst v63  }
0x2f: {  	_ =	swait.ge [sflag:s14], $0x2000  }
0x30: {  	[sflag:s14] =	ssyncset.done $0x0  }
0x31: {  	[sflag:s14] =	ssyncadd.s32 $0xFFFFE000  }
0x32: {  	[spmem:s8] =	stream.linear.scatter [tilespmem:s16], [sflag:$0x9], $0x2000, $0x38;
	[tilespmem:$0x1C000] =	vst v63  }
0x33: {  	_ =	swait.ge [sflag:s14], $0x2000  }
0x34: {  	[sflag:s14] =	ssyncset.done $0x0  }
0x35: {  	[sflag:s14] =	ssyncadd.s32 $0xFFFFE000  }
0x36: {  	[spmem:s9] =	stream.linear.scatter [tilespmem:s16], [sflag:$0x9], $0x2000, $0x38;
	[tilespmem:$0x1C000] =	vst v63  }
0x37: {  	_ =	swait.ge [sflag:s14], $0x2000  }
0x38: {  	[sflag:s14] =	ssyncset.done $0x0  }
0x39: {  	[sflag:s14] =	ssyncadd.s32 $0xFFFFE000  }
0x3a: {  	[spmem:s10] =	stream.linear.scatter [tilespmem:s16], [sflag:$0x9], $0x2000, $0x38;
	[tilespmem:$0x1C000] =	vst v63  }
0x3b: {  	_ =	swait.ge [sflag:s14], $0x2000  }
0x3c: {  	[sflag:s14] =	ssyncset.done $0x0  }
0x3d: {  	[sflag:s14] =	ssyncadd.s32 $0xFFFFE000  }
0x3e: {  	[spmem:s11] =	stream.linear.scatter [tilespmem:s16], [sflag:$0x9], $0x2000, $0x38;
	[tilespmem:$0x1C000] =	vst v63  }
0x3f: {  	_ =	swait.ge [sflag:s14], $0x2000  }
0x40: {  	[sflag:s14] =	ssyncset.done $0x0  }
0x41: {  	[sflag:s14] =	ssyncadd.s32 $0xFFFFE000  }
0x42: {  	s1 =	simm.s32 $0x0;
	[bflag:$0x0] =	sbarrier.arrive $0xFFFF  }
0x43: {  	[tilespmem:s16], [sflag:$0x1] =	stream.indirect.gather [hbm4b:s4+s17], $0x40, s1, s17, $0xb8;
	[tilespmem:$0x1C000] =	vst v63  }
0x44: {  	_ = 	snop  }
0x45: {  	[tilespmem:s18], [sflag:$0x2] =	stream.indirect.gather [hbm4b:s4+s17], $0x40, s17, s17, $0xb8;
	[tilespmem:$0x1C000] =	vst v63  }
0x46: {  	s3 =	simm.s32 $0x100  }
0x47: {  	[tilespmem:s20], [sflag:$0x3] =	stream.indirect.gather [hbm4b:s4+s17], $0x40, s3, s17, $0xb8;
	[tilespmem:$0x1C000] =	vst v63  }
0x48: {  	_ =	swait.ge [sflag:s21], $0x2000  }
0x49: {  	[sflag:s21] =	ssyncset.done $0x0  }
0x4a: {  	[sflag:s21] =	ssyncadd.s32 $0xFFFFE000  }
0x4b: {  	[spmem:s2] =	stream.indirect.scatter.add.f32 [tilespmem:s16], [sflag:$0x5], $0x40, s15, s17, $0xb8;
	[tilespmem:$0x1C000] =	vst v63  }
0x4c: {  	s6 =	simm.s32 $0x180  }
0x4d: {  	[tilespmem:s23], [sflag:$0x4] =	stream.indirect.gather [hbm4b:s4+s17], $0x40, s6, s17, $0xb8;
	[tilespmem:$0x1C000] =	vst v63  }
0x4e: {  	_ =	swait.ge [sflag:s24], $0x2000  }
0x4f: {  	[sflag:s24] =	ssyncset.done $0x0  }
0x50: {  	[sflag:s24] =	ssyncadd.s32 $0xFFFFE000  }
0x51: {  	_ =	swait.ge [sflag:s25], $0x2000  }
0x52: {  	[sflag:s25] =	ssyncset.done $0x0  }
0x53: {  	s22 =	simm.s32 $0x5080;
	[sflag:s25] =	ssyncadd.s32 $0xFFFFE000  }
0x54: {  	[spmem:s2] =	stream.indirect.scatter.add.f32 [tilespmem:s18], [sflag:$0x6], $0x40, s22, s17, $0xb8;
	[tilespmem:$0x1C000] =	vst v63  }
0x55: {  	s26 =	simm.s32 $0x200  }
0x56: {  	[tilespmem:s16], [sflag:$0x1] =	stream.indirect.gather [hbm4b:s4+s17], $0x40, s26, s17, $0xb8;
	[tilespmem:$0x1C000] =	vst v63  }
0x57: {  	_ =	swait.ge [sflag:s29], $0x2000  }
0x58: {  	[sflag:s29] =	ssyncset.done $0x0  }
0x59: {  	[sflag:s29] =	ssyncadd.s32 $0xFFFFE000  }
0x5a: {  	_ =	swait.ge [sflag:s30], $0x2000  }
0x5b: {  	[sflag:s30] =	ssyncset.done $0x0  }
0x5c: {  	s5 =	simm.s32 $0x5100;
	[sflag:s30] =	ssyncadd.s32 $0xFFFFE000  }
0x5d: {  	[spmem:s2] =	stream.indirect.scatter.add.f32 [tilespmem:s20], [sflag:$0x7], $0x40, s5, s17, $0xb8;
	[tilespmem:$0x1C000] =	vst v63  }
0x5e: {  	s6 =	simm.s32 $0x280  }
0x5f: {  	[tilespmem:s18], [sflag:$0x2] =	stream.indirect.gather [hbm4b:s4+s17], $0x40, s6, s17, $0xb8;
	[tilespmem:$0x1C000] =	vst v63  }
0x60: {  	_ =	swait.ge [sflag:s0], $0x2000  }
0x61: {  	[sflag:s0] =	ssyncset.done $0x0  }
0x62: {  	[sflag:s0] =	ssyncadd.s32 $0xFFFFE000  }
0x63: {  	_ =	swait.ge [sflag:s19], $0x2000  }
0x64: {  	[sflag:s19] =	ssyncset.done $0x0  }
0x65: {  	s22 =	simm.s32 $0x5180;
	[sflag:s19] =	ssyncadd.s32 $0xFFFFE000  }
0x66: {  	[spmem:s2] =	stream.indirect.scatter.add.f32 [tilespmem:s23], [sflag:$0x8], $0x40, s22, s17, $0xb8;
	[tilespmem:$0x1C000] =	vst v63  }
0x67: {  	s26 =	simm.s32 $0x300  }
0x68: {  	[tilespmem:s20], [sflag:$0x3] =	stream.indirect.gather [hbm4b:s4+s17], $0x40, s26, s17, $0xb8;
	[tilespmem:$0x1C000] =	vst v63  }
.LBB2_4:
0x69: {  	_ =	swait.ge [sflag:s21], $0x2000  }
0x6a: {  	[sflag:s21] =	ssyncset.done $0x0  }
0x6b: {  	[sflag:s21] =	ssyncadd.s32 $0xFFFFE000  }
0x6c: {  	_ =	swait.ge [sflag:s28], $0x2000  }
0x6d: {  	s22 =	sshra.s32 s1, $0x2;
	[sflag:s28] =	ssyncset.done $0x0  }
0x6e: {  	s26 =	sadd.s32 $0x5200, s22;
	[sflag:s28] =	ssyncadd.s32 $0xFFFFE000  }
0x6f: {  	[spmem:s2] =	stream.indirect.scatter.add.f32 [tilespmem:s16], [sflag:$0x5], $0x40, s26, s17, $0xb8;
	[tilespmem:$0x1C000] =	vst v63  }
0x70: {  	s5 =	sadd.s32 $0x380, s22  }
0x71: {  	[tilespmem:s23], [sflag:$0x4] =	stream.indirect.gather [hbm4b:s4+s17], $0x40, s5, s17, $0xb8;
	[tilespmem:$0x1C000] =	vst v63  }
0x72: {  	_ =	swait.ge [sflag:s24], $0x2000  }
0x73: {  	[sflag:s24] =	ssyncset.done $0x0  }
0x74: {  	[sflag:s24] =	ssyncadd.s32 $0xFFFFE000  }
0x75: {  	_ =	swait.ge [sflag:s25], $0x2000  }
0x76: {  	p0 =	seq.s32 s1, $0x13000;
	[sflag:s25] =	ssyncset.done $0x0  }
0x77: {  	s6 =	sadd.s32 $0x5280, s22;
	s26 =	simm.s32 @p0 $0x3;
	[sflag:s25] =	ssyncadd.s32 $0xFFFFE000  }
0x78: {  	[spmem:s2] =	stream.indirect.scatter.add.f32 [tilespmem:s18], [sflag:$0x6], $0x40, s6, s17, $0xb8;
	[tilespmem:$0x1C000] =	vst v63  }
0x79: {  	_ =	swait.ge @p0 [sflag:s26], $0x2000  }
0x7a: {  	[sflag:s26] =	ssyncset.done @p0 $0x0  }
0x7b: {  	[sflag:s26] =	ssyncadd.s32 @p0 $0xFFFFE000;
	s26 =	simm.s32 @p0 $0x6  }
0x7c: {  	_ =	swait.ge @p0 [sflag:s26], $0x2000  }
0x7d: {  	[sflag:s26] =	ssyncset.done @p0 $0x0  }
0x7e: {  	[sflag:s26] =	ssyncadd.s32 @p0 $0xFFFFE000;
	s26 =	sshra.s32 @p0 s1, $0x2  }
0x7f: {  	s3 =	simm.s32 @p0 $0x80;
	s5 =	simm.s32 @p0 $0xE000;
	s26 =	sadd.s32 @p0 $0x5300, s26  }
0x80: {  	[spmem:s2] =	stream.indirect.scatter.add.f32 @p0 [tilespmem:s5], [sflag:$0x7], $0x40, s26, s3, $0xb8;
	[tilespmem:$0x1C000] =	vst v63  }
0x81: {  	s3 =	sshra.s32 @!p0 s1, $0x2  }
0x82: {  	s6 =	simm.s32 @!p0 $0xA000;
	s26 =	simm.s32 @!p0 $0x80;
	s5 =	sadd.s32 @!p0 $0x400, s3  }
0x83: {  	[tilespmem:s6], [sflag:$0x1] =	stream.indirect.gather @!p0 [hbm4b:s4+s26], $0x40, s5, s26, $0xb8;
	[tilespmem:$0x1C000] =	vst v63  }
0x84: {  	s5 =	simm.s32 @!p0 $0x3  }
0x85: {  	_ =	swait.ge @!p0 [sflag:s5], $0x2000  }
0x86: {  	[sflag:s5] =	ssyncset.done @!p0 $0x0  }
0x87: {  	[sflag:s5] =	ssyncadd.s32 @!p0 $0xFFFFE000;
	s5 =	simm.s32 @!p0 $0x6  }
0x88: {  	_ =	swait.ge @!p0 [sflag:s5], $0x2000  }
0x89: {  	[sflag:s5] =	ssyncset.done @!p0 $0x0  }
0x8a: {  	s6 =	simm.s32 @!p0 $0xE000;
	[sflag:s5] =	ssyncadd.s32 @!p0 $0xFFFFE000;
	s5 =	sadd.s32 @!p0 $0x5300, s3  }
0x8b: {  	[spmem:s2] =	stream.indirect.scatter.add.f32 @!p0 [tilespmem:s6], [sflag:$0x7], $0x40, s5, s26, $0xb8;
	[tilespmem:$0x1C000] =	vst v63  }
0x8c: {  	s3 =	sadd.s32 @!p0 $0x480, s3;
	s5 =	simm.s32 @!p0 $0xC000  }
0x8d: {  	[tilespmem:s5], [sflag:$0x2] =	stream.indirect.gather @!p0 [hbm4b:s4+s26], $0x40, s3, s26, $0xb8;
	[tilespmem:$0x1C000] =	vst v63  }
0x8e: {  	_ =	swait.ge [sflag:s0], $0x2000  }
0x8f: {  	[sflag:s0] =	ssyncset.done $0x0  }
.Ltmp3:
0x90: {  	[sflag:s0] =	ssyncadd.s32 $0xFFFFE000;
	(pc) =	sbr.rel @p0 .LBB2_6-.Ltmp3, $4  }
0x91: {  	_ =	swait.ge [sflag:s19], $0x2000  }
0x92: {  	[sflag:s19] =	ssyncset.done $0x0  }
0x93: {  	s26 =	sadd.s32 $0x5380, s22;
	[sflag:s19] =	ssyncadd.s32 $0xFFFFE000  }
0x94: {  	[spmem:s2] =	stream.indirect.scatter.add.f32 [tilespmem:s23], [sflag:$0x8], $0x40, s26, s17, $0xb8;
	[tilespmem:$0x1C000] =	vst v63  }
.Ltmp4:
0x95: {  	(pc) =	sbr.rel .LBB2_4-.Ltmp4, $3  }
0x96: {  	_ =	sdelay $0x1  }
0x97: {  	s3 =	sadd.s32 $0x500, s22;
	s1 =	sadd.s32 $0x800, s1  }
0x98: {  	[tilespmem:s20], [sflag:$0x3] =	stream.indirect.gather [hbm4b:s4+s17], $0x40, s3, s17, $0xb8;
	[tilespmem:$0x1C000] =	vst v63  }
.LBB2_7:
0x99: {  	_ =	sfence.sel $0x180000  }
0x9a: {  	[bflag:$0x0] =	sbarrier.arrive $0xFFFF  }
0x9b: {  	_ =	strace $0x9000004A  }
0x9c: {  	s0 =	stileid.u32;
	[bflag:$0x2] =	sbarrier.arrive $0xFFFF  }
0x9d: {  	p0 =	sne.s32 s0, $0x0;
	s0 =	rddreg [dreg:$0x2]  }
0x9e: {  	s0 =	sadd.s32 @!p0 $0x100000, s0  }
0x9f: {  	[sflag:s0] =	ssyncadd.tile.s32 @!p0 $0x1;
	_ =	shalt  }
.Lfunc_end2:
_tile_overlayer_lowered:
.L_overlay_start_2:
0xa0: {  	(tag) =	ssettag $0x2  }
0xa1: {  	s0 =	rddreg [dreg:$0x0];
	s2 =	stileid.u32  }
0xa2: {  	s1 =	rddreg [dreg:$0x1];
	p0 =	sne.s32 s2, $0x0  }
0xa3: {  	s3 =	rddreg [dreg:$0x2];
	[bflag:$0x3] =	sbarrier.arrive $0xFFFF;
	s2 =	simm.s32 @!p0 $0x1C09  }
0xa4: {  	[timem:s3], [sflag:s2] =	dma.local @!p0 [hbm:s0], s1  }
0xa5: {  	s0 =	simm.s32 @!p0 $0x9  }
0xa6: {  	_ =	swait.ge @!p0 [sflag:s0], s1  }
0xa7: {  	s1 =	ssub.s32 @!p0 $0x0, s1;
	[sflag:s0] =	ssyncset.done @!p0 $0x0  }
0xa8: {  	[sflag:s0] =	ssyncadd.s32 @!p0 s1  }
0xa9: {  	[bflag:$0x3] =	sbarrier.arrive $0xFFFF  }
0xaa: {  	_ =	shalt  }

</sc_bundles>
